<compile_context>
chip_gen: v7x
topology: tpu7x:2x2x1
jax: 0.10.2.dev20260603
libtpu: 0.0.44.dev20260713+nightly
codegen_flags: <defaults>
</compile_context>

<pallas_src>
import functools

import jax
import jax.numpy as jnp
from jax import lax
from jax.experimental import pallas as pl
from jax.experimental.pallas import tpu as pltpu
from jax.experimental.pallas import tpu_sc as plsc

_NEGATIVE_RATIO = 3.0
_EPS = 1e-06
_NBINS = 22528
_NSUB = 32


def _f16_bits(v):
    u = lax.bitcast_convert_type(v, jnp.int32)
    add = 0xFFF + (lax.shift_right_logical(u, 13) & 1)
    normal = lax.shift_right_logical(u + add, 13) - (112 << 10)
    scaled = v * 16777216.0
    fl = scaled.astype(jnp.int32)
    frac = scaled - fl.astype(jnp.float32)
    round_up = (frac > 0.5) | ((frac == 0.5) & ((fl & 1) == 1))
    sub = fl + round_up.astype(jnp.int32)
    return jnp.where(v < 6.103515625e-05, sub, normal)


def _stage1_body(p_ref, g_ref, m_ref, packed_ref, pos_ref, neg_ref, psum_ref):
    step = pl.program_id(0)
    p = p_ref[...]
    g = g_ref[...]
    m = m_ref[...]
    n = p.shape[0]
    big_g = jnp.sum(g, axis=0, keepdims=True)
    sel = jnp.where(g > 0.5, p, 1.0 - p)
    loss = -jnp.maximum(jnp.log(sel), -100.0)
    v = loss * m
    wneg = float(n) - big_g
    packed_ref[...] = _f16_bits(v) | lax.shift_left(
        wneg.astype(jnp.int32), 16)

    @pl.when(step == 0)
    def _():
        pos_ref[0, 0] = 0.0
        neg_ref[0, 0] = 0.0
        psum_ref[0, 0] = 0.0

    pos_ref[0, 0] += jnp.sum(m * big_g)
    neg_ref[0, 0] += jnp.sum(m * wneg)
    psum_ref[0, 0] += jnp.sum(v * big_g)


def _stage1(p3, g3, mask, interpret=False):
    n, h, w = p3.shape
    rows = 64
    grid = h // rows
    bspec = pl.BlockSpec((n, rows, w), lambda i: (0, i, 0))
    sspec = pl.BlockSpec(memory_space=pltpu.SMEM, block_shape=(1, 1),
                         index_map=lambda i: (0, 0))
    return pl.pallas_call(
        _stage1_body,
        grid=(grid,),
        in_specs=[bspec, bspec, bspec],
        out_specs=[bspec, sspec, sspec, sspec],
        out_shape=[
            jax.ShapeDtypeStruct((n, h, w), jnp.int32),
            jax.ShapeDtypeStruct((1, 1), jnp.float32),
            jax.ShapeDtypeStruct((1, 1), jnp.float32),
            jax.ShapeDtypeStruct((1, 1), jnp.float32),
        ],
        interpret=interpret,
    )(p3, g3, mask)


def _sc_hist(packed3):
    n, h, w = packed3.shape
    rows_per_sub = (n * h) // _NSUB
    chunk = rows_per_sub * w
    hrows = _NBINS // 128
    subs_per_n = h // rows_per_sub

    mesh = plsc.VectorSubcoreMesh(core_axis_name="c", subcore_axis_name="s")

    @functools.partial(
        pl.kernel,
        mesh=mesh,
        out_type=jax.ShapeDtypeStruct((_NSUB, hrows, 128), jnp.float32),
        scratch_types=[
            pltpu.VMEM((rows_per_sub, w), jnp.int32),
            pltpu.VMEM((hrows, 128), jnp.float32),
            pltpu.SemaphoreType.DMA,
        ],
        compiler_params=pltpu.CompilerParams(needs_layout_passes=False),
    )
    def hist_kernel(packed_hbm, out_hbm, pk_v, hist_v, sem):
        wid = lax.axis_index("c") * 16 + lax.axis_index("s")
        j = wid // subs_per_n
        r0 = (wid % subs_per_n) * rows_per_sub
        copy_in = pltpu.async_copy(
            packed_hbm.at[j, pl.ds(r0, rows_per_sub)], pk_v, sem)

        zeros = jnp.zeros((16,), jnp.float32)

        @plsc.parallel_loop(0, _NBINS, step=16, unroll=8)
        def zero_body(i):
            hist_v[i // 128, pl.ds(lax.rem(i, 128), 16)] = zeros

        copy_in.wait()

        @plsc.parallel_loop(0, chunk, step=16, unroll=16)
        def scat_body(i):
            pk = pk_v[i // w, pl.ds(lax.rem(i, w), 16)]
            bins = pk & 0xFFFF
            wgt = lax.shift_right_logical(pk, 16).astype(jnp.float32)
            live = (bins != 0) & (wgt > 0.0)
            plsc.addupdate_scatter(
                hist_v,
                [lax.shift_right_logical(bins, 7), bins & 127],
                wgt, mask=live)

        pltpu.sync_copy(hist_v, out_hbm.at[wid])

    return hist_kernel(packed3)


def _fin_body(h_ref, pos_ref, neg_ref, psum_ref, out_ref):
    h3 = h_ref[...]
    cnt = jnp.sum(h3, axis=0)
    r128 = cnt.shape[0]
    iu0 = lax.broadcasted_iota(jnp.int32, (128, 128), 0)
    iu1 = lax.broadcasted_iota(jnp.int32, (128, 128), 1)
    upper = (iu0 <= iu1).astype(jnp.float32)
    row_cum = jnp.dot(cnt, upper, preferred_element_type=jnp.float32)
    rtot = jnp.sum(cnt, axis=1, keepdims=True)
    il0 = lax.broadcasted_iota(jnp.int32, (r128, r128), 0)
    il1 = lax.broadcasted_iota(jnp.int32, (r128, r128), 1)
    lower_strict = (il0 > il1).astype(jnp.float32)
    row_off = jnp.dot(lower_strict, jnp.broadcast_to(rtot, cnt.shape),
                      preferred_element_type=jnp.float32)
    prefix = row_cum + row_off
    total = jnp.sum(cnt)
    above = total - prefix
    incl = above + cnt

    pidx = (lax.broadcasted_iota(jnp.int32, cnt.shape, 0) * 128
            + lax.broadcasted_iota(jnp.int32, cnt.shape, 1))
    exp_mant = (lax.shift_left(lax.shift_right_logical(pidx, 10) + 112, 23)
                | lax.shift_left(pidx & 1023, 13))
    val_norm = lax.bitcast_convert_type(exp_mant, jnp.float32)
    val = jnp.where(pidx < 1024, pidx.astype(jnp.float32) * (2.0 ** -24),
                    val_norm)

    pos = pos_ref[0, 0]
    neg = neg_ref[0, 0]
    psum = psum_ref[0, 0]
    c = jnp.minimum(neg, jnp.floor(pos * _NEGATIVE_RATIO))
    full = incl <= c
    part = (above < c) & (incl > c)
    neg_sum = (jnp.sum(jnp.where(full, cnt * val, 0.0))
               + jnp.sum(jnp.where(part, (c - above) * val, 0.0)))
    out_ref[0, 0] = (psum + neg_sum) / (pos + c + _EPS)


def _finalize(hists3, pos, neg, psum, interpret=False):
    sspec = pl.BlockSpec(memory_space=pltpu.SMEM)
    return pl.pallas_call(
        _fin_body,
        in_specs=[pl.BlockSpec(hists3.shape, lambda: (0, 0, 0)),
                  sspec, sspec, sspec],
        out_specs=pl.BlockSpec(memory_space=pltpu.SMEM),
        out_shape=jax.ShapeDtypeStruct((1, 1), jnp.float32),
        interpret=interpret,
    )(hists3, pos, neg, psum)


def kernel(pred, gt, mask):
    n, _, h, w = pred.shape
    p3 = pred.reshape(n, h, w)
    g3 = gt.reshape(n, h, w)
    packed, pos, neg, psum = _stage1(p3, g3, mask)
    hists = _sc_hist(packed)
    out = _finalize(hists, pos, neg, psum)
    return out.reshape(())

# --- scband reference (transcript-rebuilt; emitter-appended) ---
"""Pipeline reference for scband-balance-cross-entropy-loss-35304631173537 (READ-ONLY COPY).

The authoritative reference and input builder live on the scoring server;
editing this copy changes nothing except your own understanding.
"""

import jax, jax.numpy as jnp
import numpy as np

NEGATIVE_RATIO = 3.0
EPS = 1e-06


def setup_inputs(seed: int = 0) -> dict:
    key = jax.random.key(seed)
    k1, k2, k3 = jax.random.split(key, 3)
    pred = jax.random.uniform(k1, (4, 1, 512, 512), dtype=jnp.float32)
    gt = jax.random.randint(k2, (4, 1, 512, 512), 0, 2).astype(jnp.float32)
    mask = jax.random.randint(k3, (4, 512, 512), 0, 2).astype(jnp.float32)
    return {"pred": pred, "gt": gt, "mask": mask}


def _bce_no_reduction(pred, gt):
    # torch F.binary_cross_entropy with log terms clamped at -100
    log_p = jnp.clip(jnp.log(pred), -100.0, None)
    log_1p = jnp.clip(jnp.log1p(-pred), -100.0, None)
    return -(gt * log_p + (1.0 - gt) * log_1p)


def reference(pred, gt, mask):
    # NOTE: gt is (N,1,H,W) and mask is (N,H,W); torch broadcasting yields (N,N,H,W).
    # jnp broadcasting is identical, so this is faithful to the original module.
    positive = (gt * mask).astype(jnp.float32)          # (N,N,H,W)
    negative = (mask - positive).astype(jnp.float32)    # (N,N,H,W)
    positive_count = positive.sum()
    negative_count = jnp.minimum(negative.sum(), jnp.floor(positive_count * NEGATIVE_RATIO))
    loss = _bce_no_reduction(pred, gt)[:, 0, :, :]      # (N,H,W)
    positive_loss = loss * positive                     # (N,N,H,W)
    negative_loss = (loss * negative).reshape(-1)
    # replicate the global CONST_K / CONST_K1 mutation (shape-static)
    K, K1 = 4000000, 6000000
    n = negative_loss.shape[0]
    if n < K1:
        K = int(n * 0.4)
        K1 = int(n * 0.6)
    count_i = negative_count.astype(jnp.int32)
    vals_a, _ = jax.lax.top_k(negative_loss.astype(jnp.float16), K)
    neg_sum_a = jnp.where(jnp.arange(K) < count_i, vals_a.astype(jnp.float32), 0.0).sum()
    vals_b, _ = jax.lax.top_k(negative_loss.astype(jnp.float16), K1)
    neg_sum_b = jnp.where(jnp.arange(K1) < count_i, vals_b.astype(jnp.float32), 0.0).sum()
    vals_c, _ = jax.lax.top_k(negative_loss, n)
    neg_sum_c = jnp.where(jnp.arange(n) < count_i, vals_c, 0.0).sum()
    neg_sum = jnp.where(count_i <= K, neg_sum_a,
                        jnp.where(count_i <= K1, neg_sum_b, neg_sum_c))
    positive_sum = positive_loss.sum()
    balance_loss = (positive_sum + neg_sum) / (positive_count + negative_count + EPS)
    return balance_loss

if __name__ == "__main__":
    import jax
    _d = setup_inputs()
    print(jax.jit(kernel)(*tuple(_d.values())))

</pallas_src>

<mosaic_0001>
#map = affine_map<(d0, d1) -> (0, 0, 0)>
module attributes {stable_mosaic.version = 14 : i64} {
  func.func @hist_kernel(%arg0: i32, %arg1: i32, %arg2: memref<4x512x512xi32, #tpu.memory_space<hbm>>, %arg3: memref<32x176x128xf32, #tpu.memory_space<hbm>>, %arg4: memref<64x512xi32, #tpu.memory_space<vmem>>, %arg5: memref<176x128xf32, #tpu.memory_space<vmem>>, %arg6: memref<!tpu.dma_semaphore, #tpu.memory_space<semaphore_mem>>) attributes {dimension_semantics = [#tpu.dimension_semantics<core_parallel>, #tpu.dimension_semantics<subcore_parallel>], iteration_bounds = array<i64: 2, 16>, scalar_prefetch = 0 : i64, scratch_operands = 3 : i64, tpu.core_type = #tpu.core_type<sc_vector_subcore>, window_params = [{transform_indices = #map}, {transform_indices = #map}]} {
    %mul3A = arith.constant 16 : i32
    %mul3A_0 = arith.muli %arg0, %mul3A : i32
    %add3A = arith.addi %mul3A_0, %arg1 : i32
    %jit3A = arith.constant 8 : i32
    %div3A = arith.divsi %add3A, %jit3A : i32
    %sign3A = arith.constant 0 : i32
    %sign3A_1 = arith.cmpi sgt, %add3A, %sign3A : i32
    %sign3A_2 = arith.extui %sign3A_1 : i1 to i32
    %sign3A_3 = arith.constant 0 : i32
    %sign3A_4 = arith.cmpi slt, %add3A, %sign3A_3 : i32
    %sign3A_5 = arith.extui %sign3A_4 : i1 to i32
    %sign3A_6 = arith.subi %sign3A_2, %sign3A_5 : i32
    %sign3A_7 = arith.constant 0 : i32
    %sign3A_8 = arith.cmpi sgt, %jit3A, %sign3A_7 : i32
    %sign3A_9 = arith.extui %sign3A_8 : i1 to i32
    %sign3A_10 = arith.constant 0 : i32
    %sign3A_11 = arith.cmpi slt, %jit3A, %sign3A_10 : i32
    %sign3A_12 = arith.extui %sign3A_11 : i1 to i32
    %sign3A_13 = arith.subi %sign3A_9, %sign3A_12 : i32
    %ne3A = arith.cmpi ne, %sign3A_6, %sign3A_13 : i32
    %rem3A = arith.remsi %add3A, %jit3A : i32
    %ne3A_14 = arith.constant 0 : i32
    %ne3A_15 = arith.cmpi ne, %rem3A, %ne3A_14 : i32
    %and3A = arith.andi %ne3A, %ne3A_15 : i1
    %sub3A = arith.constant 1 : i32
    %sub3A_16 = arith.subi %div3A, %sub3A : i32
    %select_n3A = arith.select %and3A, %sub3A_16, %div3A : i32
    %jit3A_17 = arith.constant 8 : i32
    %eq3A = arith.constant 0 : i32
    %eq3A_18 = arith.cmpi eq, %jit3A_17, %eq3A : i32
    %jit3A_19 = arith.constant 1 : i32
    %select_n3A_20 = arith.select %eq3A_18, %jit3A_19, %jit3A_17 : i32
    %rem3A_21 = arith.remsi %add3A, %select_n3A_20 : i32
    %ne3A_22 = arith.constant 0 : i32
    %ne3A_23 = arith.cmpi ne, %rem3A_21, %ne3A_22 : i32
    %lt3A = arith.constant 0 : i32
    %lt3A_24 = arith.cmpi slt, %rem3A_21, %lt3A : i32
    %lt3A_25 = arith.constant 0 : i32
    %lt3A_26 = arith.cmpi slt, %select_n3A_20, %lt3A_25 : i32
    %ne3A_27 = arith.xori %lt3A_24, %lt3A_26 : i1
    %and3A_28 = arith.andi %ne3A_27, %ne3A_23 : i1
    %add3A_29 = arith.addi %rem3A_21, %select_n3A_20 : i32
    %select_n3A_30 = arith.select %and3A_28, %add3A_29, %rem3A_21 : i32
    %mul3A_31 = arith.constant 64 : i32
    %mul3A_32 = arith.muli %select_n3A_30, %mul3A_31 : i32
    %dma_start3A = arith.constant 0 : i32
    %dma_start3A_33 = tpu.memref_slice %arg2[%select_n3A, %mul3A_32, %dma_start3A] : memref<4x512x512xi32, #tpu.memory_space<hbm>> -> memref<1x64x512xi32, #tpu.memory_space<hbm>>
    %dma_start3A_34 = tpu.memref_squeeze %dma_start3A_33 : memref<1x64x512xi32, #tpu.memory_space<hbm>> -> memref<64x512xi32, #tpu.memory_space<hbm>>
    %dma_start3A_35 = arith.constant 0 : i32
    %dma_start3A_36 = tpu.memref_slice %arg2[%select_n3A, %mul3A_32, %dma_start3A_35] : memref<4x512x512xi32, #tpu.memory_space<hbm>> -> memref<1x64x512xi32, #tpu.memory_space<hbm>>
    %dma_start3A_37 = tpu.memref_squeeze %dma_start3A_36 : memref<1x64x512xi32, #tpu.memory_space<hbm>> -> memref<64x512xi32, #tpu.memory_space<hbm>>
    tpu.enqueue_dma source(%dma_start3A_37 : memref<64x512xi32, #tpu.memory_space<hbm>>) target(%arg4 : memref<64x512xi32, #tpu.memory_space<vmem>>) target_semaphore(%arg6 : memref<!tpu.dma_semaphore, #tpu.memory_space<semaphore_mem>>)
    %broadcast_in_dim3A = arith.constant 0.000000e+00 : f32
    %broadcast_in_dim3A_38 = vector.broadcast %broadcast_in_dim3A : f32 to vector<16xf32>
    %parallel_loop3A = arith.constant 0 : i32
    %parallel_loop3A_39 = arith.constant 22528 : i32
    %parallel_loop3A_40 = arith.constant 16 : i32
    scf.for %parallel_loop3A_49 = %parallel_loop3A to %parallel_loop3A_39 step %parallel_loop3A_40  : i32 {
      %parallel_loop3A_50 = arith.constant 128 : i32
      %parallel_loop3A_51 = arith.divsi %parallel_loop3A_49, %parallel_loop3A_50 : i32
      %parallel_loop3A_52 = arith.constant 0 : i32
      %parallel_loop3A_53 = arith.cmpi sgt, %parallel_loop3A_49, %parallel_loop3A_52 : i32
      %parallel_loop3A_54 = arith.extui %parallel_loop3A_53 : i1 to i32
      %parallel_loop3A_55 = arith.constant 0 : i32
      %parallel_loop3A_56 = arith.cmpi slt, %parallel_loop3A_49, %parallel_loop3A_55 : i32
      %parallel_loop3A_57 = arith.extui %parallel_loop3A_56 : i1 to i32
      %parallel_loop3A_58 = arith.subi %parallel_loop3A_54, %parallel_loop3A_57 : i32
      %parallel_loop3A_59 = arith.constant 0 : i32
      %parallel_loop3A_60 = arith.cmpi sgt, %parallel_loop3A_50, %parallel_loop3A_59 : i32
      %parallel_loop3A_61 = arith.extui %parallel_loop3A_60 : i1 to i32
      %parallel_loop3A_62 = arith.constant 0 : i32
      %parallel_loop3A_63 = arith.cmpi slt, %parallel_loop3A_50, %parallel_loop3A_62 : i32
      %parallel_loop3A_64 = arith.extui %parallel_loop3A_63 : i1 to i32
      %parallel_loop3A_65 = arith.subi %parallel_loop3A_61, %parallel_loop3A_64 : i32
      %parallel_loop3A_66 = arith.cmpi ne, %parallel_loop3A_58, %parallel_loop3A_65 : i32
      %parallel_loop3A_67 = arith.remsi %parallel_loop3A_49, %parallel_loop3A_50 : i32
      %parallel_loop3A_68 = arith.constant 0 : i32
      %parallel_loop3A_69 = arith.cmpi ne, %parallel_loop3A_67, %parallel_loop3A_68 : i32
      %parallel_loop3A_70 = arith.andi %parallel_loop3A_66, %parallel_loop3A_69 : i1
      %parallel_loop3A_71 = arith.constant 1 : i32
      %parallel_loop3A_72 = arith.subi %parallel_loop3A_51, %parallel_loop3A_71 : i32
      %parallel_loop3A_73 = arith.select %parallel_loop3A_70, %parallel_loop3A_72, %parallel_loop3A_51 : i32
      %parallel_loop3A_74 = arith.constant 128 : i32
      %parallel_loop3A_75 = arith.remsi %parallel_loop3A_49, %parallel_loop3A_74 : i32
      %parallel_loop3A_76 = arith.index_cast %parallel_loop3A_73 : i32 to index
      %parallel_loop3A_77 = arith.index_cast %parallel_loop3A_75 : i32 to index
      %parallel_loop3A_78 = tpu.vector_load %arg5[%parallel_loop3A_76, %parallel_loop3A_77] {strides = array<i32>} : memref<176x128xf32, #tpu.memory_space<vmem>>, vector<16xf32>,
      tpu.vector_store %arg5[%parallel_loop3A_76, %parallel_loop3A_77], %broadcast_in_dim3A_38 {strides = array<i32>} : memref<176x128xf32, #tpu.memory_space<vmem>>, vector<16xf32>,
    } {sc.loop_unroll_factor = 8 : i64, sc.parallel_access}
    %dma_wait3A = arith.constant 0 : i32
    %dma_wait3A_41 = tpu.memref_slice %arg2[%select_n3A, %mul3A_32, %dma_wait3A] : memref<4x512x512xi32, #tpu.memory_space<hbm>> -> memref<1x64x512xi32, #tpu.memory_space<hbm>>
    %dma_wait3A_42 = tpu.memref_squeeze %dma_wait3A_41 : memref<1x64x512xi32, #tpu.memory_space<hbm>> -> memref<64x512xi32, #tpu.memory_space<hbm>>
    %dma_wait3A_43 = arith.constant 0 : i32
    %dma_wait3A_44 = tpu.memref_slice %arg2[%select_n3A, %mul3A_32, %dma_wait3A_43] : memref<4x512x512xi32, #tpu.memory_space<hbm>> -> memref<1x64x512xi32, #tpu.memory_space<hbm>>
    %dma_wait3A_45 = tpu.memref_squeeze %dma_wait3A_44 : memref<1x64x512xi32, #tpu.memory_space<hbm>> -> memref<64x512xi32, #tpu.memory_space<hbm>>
    tpu.wait_dma2 semaphore(%arg6 : memref<!tpu.dma_semaphore, #tpu.memory_space<semaphore_mem>>) src(%dma_wait3A_45 : memref<64x512xi32, #tpu.memory_space<hbm>>) dst(%arg4 : memref<64x512xi32, #tpu.memory_space<vmem>>)
    %parallel_loop3A_46 = arith.constant 0 : i32
    %parallel_loop3A_47 = arith.constant 32768 : i32
    %parallel_loop3A_48 = arith.constant 16 : i32
    scf.for %parallel_loop3A_49 = %parallel_loop3A_46 to %parallel_loop3A_47 step %parallel_loop3A_48  : i32 {
      %parallel_loop3A_50 = arith.constant 512 : i32
      %parallel_loop3A_51 = arith.divsi %parallel_loop3A_49, %parallel_loop3A_50 : i32
      %parallel_loop3A_52 = arith.constant 0 : i32
      %parallel_loop3A_53 = arith.cmpi sgt, %parallel_loop3A_49, %parallel_loop3A_52 : i32
      %parallel_loop3A_54 = arith.extui %parallel_loop3A_53 : i1 to i32
      %parallel_loop3A_55 = arith.constant 0 : i32
      %parallel_loop3A_56 = arith.cmpi slt, %parallel_loop3A_49, %parallel_loop3A_55 : i32
      %parallel_loop3A_57 = arith.extui %parallel_loop3A_56 : i1 to i32
      %parallel_loop3A_58 = arith.subi %parallel_loop3A_54, %parallel_loop3A_57 : i32
      %parallel_loop3A_59 = arith.constant 0 : i32
      %parallel_loop3A_60 = arith.cmpi sgt, %parallel_loop3A_50, %parallel_loop3A_59 : i32
      %parallel_loop3A_61 = arith.extui %parallel_loop3A_60 : i1 to i32
      %parallel_loop3A_62 = arith.constant 0 : i32
      %parallel_loop3A_63 = arith.cmpi slt, %parallel_loop3A_50, %parallel_loop3A_62 : i32
      %parallel_loop3A_64 = arith.extui %parallel_loop3A_63 : i1 to i32
      %parallel_loop3A_65 = arith.subi %parallel_loop3A_61, %parallel_loop3A_64 : i32
      %parallel_loop3A_66 = arith.cmpi ne, %parallel_loop3A_58, %parallel_loop3A_65 : i32
      %parallel_loop3A_67 = arith.remsi %parallel_loop3A_49, %parallel_loop3A_50 : i32
      %parallel_loop3A_68 = arith.constant 0 : i32
      %parallel_loop3A_69 = arith.cmpi ne, %parallel_loop3A_67, %parallel_loop3A_68 : i32
      %parallel_loop3A_70 = arith.andi %parallel_loop3A_66, %parallel_loop3A_69 : i1
      %parallel_loop3A_71 = arith.constant 1 : i32
      %parallel_loop3A_72 = arith.subi %parallel_loop3A_51, %parallel_loop3A_71 : i32
      %parallel_loop3A_73 = arith.select %parallel_loop3A_70, %parallel_loop3A_72, %parallel_loop3A_51 : i32
      %parallel_loop3A_74 = arith.constant 512 : i32
      %parallel_loop3A_75 = arith.remsi %parallel_loop3A_49, %parallel_loop3A_74 : i32
      %parallel_loop3A_76 = arith.index_cast %parallel_loop3A_73 : i32 to index
      %parallel_loop3A_77 = arith.index_cast %parallel_loop3A_75 : i32 to index
      %parallel_loop3A_78 = tpu.vector_load %arg4[%parallel_loop3A_76, %parallel_loop3A_77] {strides = array<i32>} : memref<64x512xi32, #tpu.memory_space<vmem>>, vector<16xi32>,
      %parallel_loop3A_79 = arith.constant 65535 : i32
      %parallel_loop3A_80 = vector.broadcast %parallel_loop3A_79 : i32 to vector<16xi32>
      %parallel_loop3A_81 = arith.andi %parallel_loop3A_78, %parallel_loop3A_80 : vector<16xi32>
      %parallel_loop3A_82 = arith.constant 16 : i32
      %parallel_loop3A_83 = vector.broadcast %parallel_loop3A_82 : i32 to vector<16xi32>
      %parallel_loop3A_84 = arith.shrui %parallel_loop3A_78, %parallel_loop3A_83 : vector<16xi32>
      %parallel_loop3A_85 = arith.sitofp %parallel_loop3A_84 : vector<16xi32> to vector<16xf32>
      %parallel_loop3A_86 = arith.constant 0 : i32
      %parallel_loop3A_87 = vector.broadcast %parallel_loop3A_86 : i32 to vector<16xi32>
      %parallel_loop3A_88 = arith.cmpi ne, %parallel_loop3A_81, %parallel_loop3A_87 : vector<16xi32>
      %parallel_loop3A_89 = arith.constant 0.000000e+00 : f32
      %parallel_loop3A_90 = vector.broadcast %parallel_loop3A_89 : f32 to vector<16xf32>
      %parallel_loop3A_91 = arith.cmpf ogt, %parallel_loop3A_85, %parallel_loop3A_90 : vector<16xf32>
      %parallel_loop3A_92 = arith.andi %parallel_loop3A_88, %parallel_loop3A_91 : vector<16xi1>
      %parallel_loop3A_93 = arith.constant 7 : i32
      %parallel_loop3A_94 = vector.broadcast %parallel_loop3A_93 : i32 to vector<16xi32>
      %parallel_loop3A_95 = arith.shrui %parallel_loop3A_81, %parallel_loop3A_94 : vector<16xi32>
      %parallel_loop3A_96 = arith.constant 127 : i32
      %parallel_loop3A_97 = vector.broadcast %parallel_loop3A_96 : i32 to vector<16xi32>
      %parallel_loop3A_98 = arith.andi %parallel_loop3A_81, %parallel_loop3A_97 : vector<16xi32>
      tpu.vector_store_idx %arg5[%parallel_loop3A_95, %parallel_loop3A_98], %parallel_loop3A_85 masked %parallel_loop3A_92 {add = true} : memref<176x128xf32, #tpu.memory_space<vmem>>[vector<16xi32>, vector<16xi32>], vector<16xf32>, vector<16xi1>
    } {sc.loop_unroll_factor = 16 : i64, sc.parallel_access}
    "tpu.region"() ({
      %run_scoped3A = tpu.sem_alloc : memref<!tpu.dma_semaphore, #tpu.memory_space<semaphore_mem>>
      %dma_start3A_49 = arith.constant 0 : i32
      %dma_start3A_50 = arith.constant 0 : i32
      %dma_start3A_51 = tpu.memref_slice %arg3[%add3A, %dma_start3A_49, %dma_start3A_50] : memref<32x176x128xf32, #tpu.memory_space<hbm>> -> memref<1x176x128xf32, #tpu.memory_space<hbm>>
      %dma_start3A_52 = tpu.memref_squeeze %dma_start3A_51 : memref<1x176x128xf32, #tpu.memory_space<hbm>> -> memref<176x128xf32, #tpu.memory_space<hbm>>
      %dma_start3A_53 = arith.constant 0 : i32
      %dma_start3A_54 = arith.constant 0 : i32
      %dma_start3A_55 = tpu.memref_slice %arg3[%add3A, %dma_start3A_53, %dma_start3A_54] : memref<32x176x128xf32, #tpu.memory_space<hbm>> -> memref<1x176x128xf32, #tpu.memory_space<hbm>>
      %dma_start3A_56 = tpu.memref_squeeze %dma_start3A_55 : memref<1x176x128xf32, #tpu.memory_space<hbm>> -> memref<176x128xf32, #tpu.memory_space<hbm>>
      tpu.enqueue_dma source(%arg5 : memref<176x128xf32, #tpu.memory_space<vmem>>) target(%dma_start3A_56 : memref<176x128xf32, #tpu.memory_space<hbm>>) target_semaphore(%run_scoped3A : memref<!tpu.dma_semaphore, #tpu.memory_space<semaphore_mem>>)
      %dma_wait3A_57 = arith.constant 0 : i32
      %dma_wait3A_58 = arith.constant 0 : i32
      %dma_wait3A_59 = tpu.memref_slice %arg3[%add3A, %dma_wait3A_57, %dma_wait3A_58] : memref<32x176x128xf32, #tpu.memory_space<hbm>> -> memref<1x176x128xf32, #tpu.memory_space<hbm>>
      %dma_wait3A_60 = tpu.memref_squeeze %dma_wait3A_59 : memref<1x176x128xf32, #tpu.memory_space<hbm>> -> memref<176x128xf32, #tpu.memory_space<hbm>>
      %dma_wait3A_61 = arith.constant 0 : i32
      %dma_wait3A_62 = arith.constant 0 : i32
      %dma_wait3A_63 = tpu.memref_slice %arg3[%add3A, %dma_wait3A_61, %dma_wait3A_62] : memref<32x176x128xf32, #tpu.memory_space<hbm>> -> memref<1x176x128xf32, #tpu.memory_space<hbm>>
      %dma_wait3A_64 = tpu.memref_squeeze %dma_wait3A_63 : memref<1x176x128xf32, #tpu.memory_space<hbm>> -> memref<176x128xf32, #tpu.memory_space<hbm>>
      tpu.wait_dma2 semaphore(%run_scoped3A : memref<!tpu.dma_semaphore, #tpu.memory_space<semaphore_mem>>) src(%arg5 : memref<176x128xf32, #tpu.memory_space<vmem>>) dst(%dma_wait3A_64 : memref<176x128xf32, #tpu.memory_space<hbm>>)
      tpu.yield
    }) : () -> ()
    return
  }
}

module attributes {stable_mosaic.version = 14 : i64} {
  func.func @_stage1_body(%arg0: i32, %arg1: memref<4x64x512xf32, #tpu.memory_space<vmem>>, %arg2: memref<4x64x512xf32, #tpu.memory_space<vmem>>, %arg3: memref<4x64x512xf32, #tpu.memory_space<vmem>>, %arg4: memref<4x64x512xi32, #tpu.memory_space<vmem>>, %arg5: memref<1x1xf32, #tpu.memory_space<smem>>, %arg6: memref<1x1xf32, #tpu.memory_space<smem>>, %arg7: memref<1x1xf32, #tpu.memory_space<smem>>) attributes {dimension_semantics = [#tpu.dimension_semantics<arbitrary>], iteration_bounds = array<i64: 8>, scalar_prefetch = 0 : i64, scratch_operands = 0 : i64, tpu.core_type = #tpu.core_type<tc>, window_params = [{transform_indices = @transform_0, window_bounds = array<i64: 4, 64, 512>}, {transform_indices = @transform_1, window_bounds = array<i64: 4, 64, 512>}, {transform_indices = @transform_2, window_bounds = array<i64: 4, 64, 512>}, {transform_indices = @transform_3, window_bounds = array<i64: 4, 64, 512>}, {transform_indices = @transform_4, window_bounds = array<i64: 1, 1>}, {transform_indices = @transform_5, window_bounds = array<i64: 1, 1>}, {transform_indices = @transform_6, window_bounds = array<i64: 1, 1>}]} {
    %get3A = arith.constant 0 : index
    %get3A_0 = arith.constant 0 : index
    %get3A_1 = arith.constant 0 : index
    %get3A_2 = vector.load %arg1[%get3A, %get3A_0, %get3A_1] : memref<4x64x512xf32, #tpu.memory_space<vmem>>, vector<4x64x512xf32>
    %get3A_3 = arith.constant 0 : index
    %get3A_4 = arith.constant 0 : index
    %get3A_5 = arith.constant 0 : index
    %get3A_6 = vector.load %arg2[%get3A_3, %get3A_4, %get3A_5] : memref<4x64x512xf32, #tpu.memory_space<vmem>>, vector<4x64x512xf32>
    %get3A_7 = arith.constant 0 : index
    %get3A_8 = arith.constant 0 : index
    %get3A_9 = arith.constant 0 : index
    %get3A_10 = vector.load %arg3[%get3A_7, %get3A_8, %get3A_9] : memref<4x64x512xf32, #tpu.memory_space<vmem>>, vector<4x64x512xf32>
    %reduce_sum3A = arith.constant dense<0.000000e+00> : vector<64x512xf32>
    %reduce_sum3A_11 = vector.multi_reduction <add>, %get3A_6, %reduce_sum3A [0] : vector<4x64x512xf32> to vector<64x512xf32>
    %broadcast_in_dim3A = vector.shape_cast %reduce_sum3A_11 : vector<64x512xf32> to vector<1x64x512xf32>
    %gt3A = arith.constant 5.000000e-01 : f32
    %gt3A_12 = vector.broadcast %gt3A : f32 to vector<4x64x512xf32>
    %gt3A_13 = arith.cmpf ogt, %get3A_6, %gt3A_12 : vector<4x64x512xf32>
    %sub3A = arith.constant 1.000000e+00 : f32
    %sub3A_14 = vector.broadcast %sub3A : f32 to vector<4x64x512xf32>
    %sub3A_15 = arith.subf %sub3A_14, %get3A_2 : vector<4x64x512xf32>
    %select_n3A = arith.select %gt3A_13, %get3A_2, %sub3A_15 : vector<4x64x512xi1>, vector<4x64x512xf32>
    %log3A = math.log %select_n3A : vector<4x64x512xf32>
    %max3A = arith.constant -1.000000e+02 : f32
    %max3A_16 = vector.broadcast %max3A : f32 to vector<4x64x512xf32>
    %max3A_17 = arith.maximumf %log3A, %max3A_16 : vector<4x64x512xf32>
    %neg3A = arith.constant 0.000000e+00 : f32
    %neg3A_18 = vector.broadcast %neg3A : f32 to vector<4x64x512xf32>
    %neg3A_19 = arith.subf %neg3A_18, %max3A_17 : vector<4x64x512xf32>
    %mul3A = arith.mulf %neg3A_19, %get3A_10 : vector<4x64x512xf32>
    %sub3A_20 = arith.constant 4.000000e+00 : f32
    %sub3A_21 = vector.broadcast %sub3A_20 : f32 to vector<1x64x512xf32>
    %sub3A_22 = arith.subf %sub3A_21, %broadcast_in_dim3A : vector<1x64x512xf32>
    %bitcast_convert_type3A = tpu.bitcast %mul3A : vector<4x64x512xf32> -> vector<4x64x512xi32>
    %shift_right_logical3A = arith.constant 13 : i32
    %shift_right_logical3A_23 = vector.broadcast %shift_right_logical3A : i32 to vector<4x64x512xi32>
    %shift_right_logical3A_24 = arith.shrui %bitcast_convert_type3A, %shift_right_logical3A_23 : vector<4x64x512xi32>
    %and3A = arith.constant 1 : i32
    %and3A_25 = vector.broadcast %and3A : i32 to vector<4x64x512xi32>
    %and3A_26 = arith.andi %shift_right_logical3A_24, %and3A_25 : vector<4x64x512xi32>
    %add3A = arith.constant 4095 : i32
    %add3A_27 = vector.broadcast %add3A : i32 to vector<4x64x512xi32>
    %add3A_28 = arith.addi %add3A_27, %and3A_26 : vector<4x64x512xi32>
    %add3A_29 = arith.addi %bitcast_convert_type3A, %add3A_28 : vector<4x64x512xi32>
    %shift_right_logical3A_30 = arith.constant 13 : i32
    %shift_right_logical3A_31 = vector.broadcast %shift_right_logical3A_30 : i32 to vector<4x64x512xi32>
    %shift_right_logical3A_32 = arith.shrui %add3A_29, %shift_right_logical3A_31 : vector<4x64x512xi32>
    %sub3A_33 = arith.constant 114688 : i32
    %sub3A_34 = vector.broadcast %sub3A_33 : i32 to vector<4x64x512xi32>
    %sub3A_35 = arith.subi %shift_right_logical3A_32, %sub3A_34 : vector<4x64x512xi32>
    %mul3A_36 = arith.constant 0x4B800000 : f32
    %mul3A_37 = vector.broadcast %mul3A_36 : f32 to vector<4x64x512xf32>
    %mul3A_38 = arith.mulf %mul3A, %mul3A_37 : vector<4x64x512xf32>
    %convert_element_type3A = arith.fptosi %mul3A_38 : vector<4x64x512xf32> to vector<4x64x512xi32>
    %convert_element_type3A_39 = arith.sitofp %convert_element_type3A : vector<4x64x512xi32> to vector<4x64x512xf32>
    %sub3A_40 = arith.subf %mul3A_38, %convert_element_type3A_39 : vector<4x64x512xf32>
    %gt3A_41 = arith.constant 5.000000e-01 : f32
    %gt3A_42 = vector.broadcast %gt3A_41 : f32 to vector<4x64x512xf32>
    %gt3A_43 = arith.cmpf ogt, %sub3A_40, %gt3A_42 : vector<4x64x512xf32>
    %eq3A = arith.constant 5.000000e-01 : f32
    %eq3A_44 = vector.broadcast %eq3A : f32 to vector<4x64x512xf32>
    %eq3A_45 = arith.cmpf oeq, %sub3A_40, %eq3A_44 : vector<4x64x512xf32>
    %and3A_46 = arith.constant 1 : i32
    %and3A_47 = vector.broadcast %and3A_46 : i32 to vector<4x64x512xi32>
    %and3A_48 = arith.andi %convert_element_type3A, %and3A_47 : vector<4x64x512xi32>
    %eq3A_49 = arith.constant 1 : i32
    %eq3A_50 = vector.broadcast %eq3A_49 : i32 to vector<4x64x512xi32>
    %eq3A_51 = arith.cmpi eq, %and3A_48, %eq3A_50 : vector<4x64x512xi32>
    %and3A_52 = arith.andi %eq3A_45, %eq3A_51 : vector<4x64x512xi1>
    %or3A = arith.ori %gt3A_43, %and3A_52 : vector<4x64x512xi1>
    %convert_element_type3A_53 = arith.extui %or3A : vector<4x64x512xi1> to vector<4x64x512xi32>
    %add3A_54 = arith.addi %convert_element_type3A, %convert_element_type3A_53 : vector<4x64x512xi32>
    %lt3A = arith.constant 6.10351563E-5 : f32
    %lt3A_55 = vector.broadcast %lt3A : f32 to vector<4x64x512xf32>
    %lt3A_56 = arith.cmpf olt, %mul3A, %lt3A_55 : vector<4x64x512xf32>
    %select_n3A_57 = arith.select %lt3A_56, %add3A_54, %sub3A_35 : vector<4x64x512xi1>, vector<4x64x512xi32>
    %convert_element_type3A_58 = arith.fptosi %sub3A_22 : vector<1x64x512xf32> to vector<1x64x512xi32>
    %shift_left3A = arith.constant 16 : i32
    %shift_left3A_59 = vector.broadcast %shift_left3A : i32 to vector<1x64x512xi32>
    %shift_left3A_60 = arith.shli %convert_element_type3A_58, %shift_left3A_59 : vector<1x64x512xi32>
    %or3A_61 = vector.broadcast %shift_left3A_60 : vector<1x64x512xi32> to vector<4x64x512xi32>
    %or3A_62 = arith.ori %select_n3A_57, %or3A_61 : vector<4x64x512xi32>
    %swap3A = arith.constant 0 : index
    %swap3A_63 = arith.constant 0 : index
    %swap3A_64 = arith.constant 0 : index
    %swap3A_65 = vector.load %arg4[%swap3A, %swap3A_63, %swap3A_64] : memref<4x64x512xi32, #tpu.memory_space<vmem>>, vector<4x64x512xi32>
    tpu.vector_store %arg4[%swap3A, %swap3A_63, %swap3A_64], %or3A_62 {strides = array<i32>} : memref<4x64x512xi32, #tpu.memory_space<vmem>>, vector<4x64x512xi32>,
    %eq3A_66 = arith.constant 0 : i32
    %eq3A_67 = arith.cmpi eq, %arg0, %eq3A_66 : i32
    %convert_element_type3A_68 = arith.extui %eq3A_67 : i1 to i32
    %cond3A = arith.constant 0 : i32
    %cond3A_69 = arith.cmpi ne, %convert_element_type3A_68, %cond3A : i32
    scf.if %cond3A_69 {
      %swap3A_112 = arith.constant 0.000000e+00 : f32
      %swap3A_113 = arith.constant 0 : index
      %swap3A_114 = arith.constant 0 : index
      %swap3A_115 = memref.load %arg5[%swap3A_113, %swap3A_114] : memref<1x1xf32, #tpu.memory_space<smem>>
      memref.store %swap3A_112, %arg5[%swap3A_113, %swap3A_114] : memref<1x1xf32, #tpu.memory_space<smem>>
      %swap3A_116 = arith.constant 0.000000e+00 : f32
      %swap3A_117 = arith.constant 0 : index
      %swap3A_118 = arith.constant 0 : index
      %swap3A_119 = memref.load %arg6[%swap3A_117, %swap3A_118] : memref<1x1xf32, #tpu.memory_space<smem>>
      memref.store %swap3A_116, %arg6[%swap3A_117, %swap3A_118] : memref<1x1xf32, #tpu.memory_space<smem>>
      %swap3A_120 = arith.constant 0.000000e+00 : f32
      %swap3A_121 = arith.constant 0 : index
      %swap3A_122 = arith.constant 0 : index
      %swap3A_123 = memref.load %arg7[%swap3A_121, %swap3A_122] : memref<1x1xf32, #tpu.memory_space<smem>>
      memref.store %swap3A_120, %arg7[%swap3A_121, %swap3A_122] : memref<1x1xf32, #tpu.memory_space<smem>>
    } else {
    }
    %get3A_70 = arith.constant 0 : index
    %get3A_71 = arith.constant 0 : index
    %get3A_72 = memref.load %arg5[%get3A_70, %get3A_71] : memref<1x1xf32, #tpu.memory_space<smem>>
    %mul3A_73 = vector.broadcast %broadcast_in_dim3A : vector<1x64x512xf32> to vector<4x64x512xf32>
    %mul3A_74 = arith.mulf %get3A_10, %mul3A_73 : vector<4x64x512xf32>
    %reduce_sum3A_75 = vector.shape_cast %mul3A_74 : vector<4x64x512xf32> to vector<1x4x64x512xf32>
    %reduce_sum3A_76 = arith.constant dense<0.000000e+00> : vector<1xf32>
    %reduce_sum3A_77 = vector.multi_reduction <add>, %reduce_sum3A_75, %reduce_sum3A_76 [1, 2, 3] : vector<1x4x64x512xf32> to vector<1xf32>
    %reduce_sum3A_78 = vector.shape_cast %reduce_sum3A_77 : vector<1xf32> to vector<1x1x1x1xf32>
    %reduce_sum3A_79 = vector.extract %reduce_sum3A_78[0, 0, 0, 0] : f32 from vector<1x1x1x1xf32>
    %add3A_80 = arith.addf %get3A_72, %reduce_sum3A_79 : f32
    %swap3A_81 = arith.constant 0 : index
    %swap3A_82 = arith.constant 0 : index
    %swap3A_83 = memref.load %arg5[%swap3A_81, %swap3A_82] : memref<1x1xf32, #tpu.memory_space<smem>>
    memref.store %add3A_80, %arg5[%swap3A_81, %swap3A_82] : memref<1x1xf32, #tpu.memory_space<smem>>
    %get3A_84 = arith.constant 0 : index
    %get3A_85 = arith.constant 0 : index
    %get3A_86 = memref.load %arg6[%get3A_84, %get3A_85] : memref<1x1xf32, #tpu.memory_space<smem>>
    %mul3A_87 = vector.broadcast %sub3A_22 : vector<1x64x512xf32> to vector<4x64x512xf32>
    %mul3A_88 = arith.mulf %get3A_10, %mul3A_87 : vector<4x64x512xf32>
    %reduce_sum3A_89 = vector.shape_cast %mul3A_88 : vector<4x64x512xf32> to vector<1x4x64x512xf32>
    %reduce_sum3A_90 = arith.constant dense<0.000000e+00> : vector<1xf32>
    %reduce_sum3A_91 = vector.multi_reduction <add>, %reduce_sum3A_89, %reduce_sum3A_90 [1, 2, 3] : vector<1x4x64x512xf32> to vector<1xf32>
    %reduce_sum3A_92 = vector.shape_cast %reduce_sum3A_91 : vector<1xf32> to vector<1x1x1x1xf32>
    %reduce_sum3A_93 = vector.extract %reduce_sum3A_92[0, 0, 0, 0] : f32 from vector<1x1x1x1xf32>
    %add3A_94 = arith.addf %get3A_86, %reduce_sum3A_93 : f32
    %swap3A_95 = arith.constant 0 : index
    %swap3A_96 = arith.constant 0 : index
    %swap3A_97 = memref.load %arg6[%swap3A_95, %swap3A_96] : memref<1x1xf32, #tpu.memory_space<smem>>
    memref.store %add3A_94, %arg6[%swap3A_95, %swap3A_96] : memref<1x1xf32, #tpu.memory_space<smem>>
    %get3A_98 = arith.constant 0 : index
    %get3A_99 = arith.constant 0 : index
    %get3A_100 = memref.load %arg7[%get3A_98, %get3A_99] : memref<1x1xf32, #tpu.memory_space<smem>>
    %mul3A_101 = vector.broadcast %broadcast_in_dim3A : vector<1x64x512xf32> to vector<4x64x512xf32>
    %mul3A_102 = arith.mulf %mul3A, %mul3A_101 : vector<4x64x512xf32>
    %reduce_sum3A_103 = vector.shape_cast %mul3A_102 : vector<4x64x512xf32> to vector<1x4x64x512xf32>
    %reduce_sum3A_104 = arith.constant dense<0.000000e+00> : vector<1xf32>
    %reduce_sum3A_105 = vector.multi_reduction <add>, %reduce_sum3A_103, %reduce_sum3A_104 [1, 2, 3] : vector<1x4x64x512xf32> to vector<1xf32>
    %reduce_sum3A_106 = vector.shape_cast %reduce_sum3A_105 : vector<1xf32> to vector<1x1x1x1xf32>
    %reduce_sum3A_107 = vector.extract %reduce_sum3A_106[0, 0, 0, 0] : f32 from vector<1x1x1x1xf32>
    %add3A_108 = arith.addf %get3A_100, %reduce_sum3A_107 : f32
    %swap3A_109 = arith.constant 0 : index
    %swap3A_110 = arith.constant 0 : index
    %swap3A_111 = memref.load %arg7[%swap3A_109, %swap3A_110] : memref<1x1xf32, #tpu.memory_space<smem>>
    memref.store %add3A_108, %arg7[%swap3A_109, %swap3A_110] : memref<1x1xf32, #tpu.memory_space<smem>>
    return
  }
  func.func @transform_0(%arg0: i32) -> (i32, i32, i32) {
    %c0_i32 = arith.constant 0 : i32
    %c0_i32_0 = arith.constant 0 : i32
    %c0_i32_1 = arith.constant 0 : i32
    return %c0_i32, %arg0, %c0_i32_0 : i32, i32, i32
  }
  func.func @transform_1(%arg0: i32) -> (i32, i32, i32) {
    %c0_i32 = arith.constant 0 : i32
    %c0_i32_0 = arith.constant 0 : i32
    %c0_i32_1 = arith.constant 0 : i32
    return %c0_i32, %arg0, %c0_i32_0 : i32, i32, i32
  }
  func.func @transform_2(%arg0: i32) -> (i32, i32, i32) {
    %c0_i32 = arith.constant 0 : i32
    %c0_i32_0 = arith.constant 0 : i32
    %c0_i32_1 = arith.constant 0 : i32
    return %c0_i32, %arg0, %c0_i32_0 : i32, i32, i32
  }
  func.func @transform_3(%arg0: i32) -> (i32, i32, i32) {
    %c0_i32 = arith.constant 0 : i32
    %c0_i32_0 = arith.constant 0 : i32
    %c0_i32_1 = arith.constant 0 : i32
    return %c0_i32, %arg0, %c0_i32_0 : i32, i32, i32
  }
  func.func @transform_4(%arg0: i32) -> (i32, i32) {
    %c0_i32 = arith.constant 0 : i32
    %c0_i32_0 = arith.constant 0 : i32
    %c0_i32_1 = arith.constant 0 : i32
    return %c0_i32, %c0_i32_0 : i32, i32
  }
  func.func @transform_5(%arg0: i32) -> (i32, i32) {
    %c0_i32 = arith.constant 0 : i32
    %c0_i32_0 = arith.constant 0 : i32
    %c0_i32_1 = arith.constant 0 : i32
    return %c0_i32, %c0_i32_0 : i32, i32
  }
  func.func @transform_6(%arg0: i32) -> (i32, i32) {
    %c0_i32 = arith.constant 0 : i32
    %c0_i32_0 = arith.constant 0 : i32
    %c0_i32_1 = arith.constant 0 : i32
    return %c0_i32, %c0_i32_0 : i32, i32
  }
}

module attributes {stable_mosaic.version = 14 : i64} {
  func.func @_fin_body(%arg0: memref<32x176x128xf32, #tpu.memory_space<vmem>>, %arg1: memref<1x1xf32, #tpu.memory_space<smem>>, %arg2: memref<1x1xf32, #tpu.memory_space<smem>>, %arg3: memref<1x1xf32, #tpu.memory_space<smem>>, %arg4: memref<1x1xf32, #tpu.memory_space<smem>>) attributes {dimension_semantics = [], scalar_prefetch = 0 : i64, scratch_operands = 0 : i64, tpu.core_type = #tpu.core_type<tc>} {
    %get3A = arith.constant 0 : index
    %get3A_0 = arith.constant 0 : index
    %get3A_1 = arith.constant 0 : index
    %get3A_2 = vector.load %arg0[%get3A, %get3A_0, %get3A_1] : memref<32x176x128xf32, #tpu.memory_space<vmem>>, vector<32x176x128xf32>
    %reduce_sum3A = arith.constant dense<0.000000e+00> : vector<176x128xf32>
    %reduce_sum3A_3 = vector.multi_reduction <add>, %get3A_2, %reduce_sum3A [0] : vector<32x176x128xf32> to vector<176x128xf32>
    %iota3A = tpu.iota {dimensions = array<i32: 0>} : vector<128x128xi32>
    %iota3A_4 = tpu.iota {dimensions = array<i32: 1>} : vector<128x128xi32>
    %le3A = arith.cmpi sle, %iota3A, %iota3A_4 : vector<128x128xi32>
    %convert_element_type3A = arith.extui %le3A : vector<128x128xi1> to vector<128x128xi32>
    %convert_element_type3A_5 = arith.sitofp %convert_element_type3A : vector<128x128xi32> to vector<128x128xf32>
    %dot_general3A = arith.constant dense<0.000000e+00> : vector<176x128xf32>
    %dot_general3A_6 = tpu.matmul %reduce_sum3A_3, %convert_element_type3A_5, %dot_general3A {dimension_numbers = #tpu.dot_dimension_numbers<[1], [0], [0], [1], [0, 0, 1, 1], [], []>, transpose_lhs_hint = false} : vector<176x128xf32>, vector<128x128xf32>, vector<176x128xf32> -> vector<176x128xf32>
    %reduce_sum3A_7 = arith.constant dense<0.000000e+00> : vector<176xf32>
    %reduce_sum3A_8 = vector.multi_reduction <add>, %reduce_sum3A_3, %reduce_sum3A_7 [1] : vector<176x128xf32> to vector<176xf32>
    %broadcast_in_dim3A = vector.shape_cast %reduce_sum3A_8 : vector<176xf32> to vector<176x1xf32>
    %iota3A_9 = tpu.iota {dimensions = array<i32: 0>} : vector<176x176xi32>
    %iota3A_10 = tpu.iota {dimensions = array<i32: 1>} : vector<176x176xi32>
    %gt3A = arith.cmpi sgt, %iota3A_9, %iota3A_10 : vector<176x176xi32>
    %convert_element_type3A_11 = arith.extui %gt3A : vector<176x176xi1> to vector<176x176xi32>
    %convert_element_type3A_12 = arith.sitofp %convert_element_type3A_11 : vector<176x176xi32> to vector<176x176xf32>
    %broadcast_in_dim3A_13 = vector.shape_cast %broadcast_in_dim3A : vector<176x1xf32> to vector<176x1xf32>
    %broadcast_in_dim3A_14 = vector.broadcast %broadcast_in_dim3A_13 : vector<176x1xf32> to vector<176x128xf32>
    %dot_general3A_15 = arith.constant dense<0.000000e+00> : vector<176x128xf32>
    %dot_general3A_16 = tpu.matmul %convert_element_type3A_12, %broadcast_in_dim3A_14, %dot_general3A_15 {dimension_numbers = #tpu.dot_dimension_numbers<[1], [0], [0], [1], [0, 0, 1, 1], [], []>, transpose_lhs_hint = false} : vector<176x176xf32>, vector<176x128xf32>, vector<176x128xf32> -> vector<176x128xf32>
    %add3A = arith.addf %dot_general3A_6, %dot_general3A_16 : vector<176x128xf32>
    %reduce_sum3A_17 = vector.shape_cast %reduce_sum3A_3 : vector<176x128xf32> to vector<1x176x128xf32>
    %reduce_sum3A_18 = arith.constant dense<0.000000e+00> : vector<1xf32>
    %reduce_sum3A_19 = vector.multi_reduction <add>, %reduce_sum3A_17, %reduce_sum3A_18 [1, 2] : vector<1x176x128xf32> to vector<1xf32>
    %reduce_sum3A_20 = vector.shape_cast %reduce_sum3A_19 : vector<1xf32> to vector<1x1x1xf32>
    %reduce_sum3A_21 = vector.extract %reduce_sum3A_20[0, 0, 0] : f32 from vector<1x1x1xf32>
    %sub3A = vector.broadcast %reduce_sum3A_21 : f32 to vector<176x128xf32>
    %sub3A_22 = arith.subf %sub3A, %add3A : vector<176x128xf32>
    %add3A_23 = arith.addf %sub3A_22, %reduce_sum3A_3 : vector<176x128xf32>
    %iota3A_24 = tpu.iota {dimensions = array<i32: 0>} : vector<176x128xi32>
    %mul3A = arith.constant 128 : i32
    %mul3A_25 = vector.broadcast %mul3A : i32 to vector<176x128xi32>
    %mul3A_26 = arith.muli %iota3A_24, %mul3A_25 : vector<176x128xi32>
    %iota3A_27 = tpu.iota {dimensions = array<i32: 1>} : vector<176x128xi32>
    %add3A_28 = arith.addi %mul3A_26, %iota3A_27 : vector<176x128xi32>
    %shift_right_logical3A = arith.constant 10 : i32
    %shift_right_logical3A_29 = vector.broadcast %shift_right_logical3A : i32 to vector<176x128xi32>
    %shift_right_logical3A_30 = arith.shrui %add3A_28, %shift_right_logical3A_29 : vector<176x128xi32>
    %add3A_31 = arith.constant 112 : i32
    %add3A_32 = vector.broadcast %add3A_31 : i32 to vector<176x128xi32>
    %add3A_33 = arith.addi %shift_right_logical3A_30, %add3A_32 : vector<176x128xi32>
    %shift_left3A = arith.constant 23 : i32
    %shift_left3A_34 = vector.broadcast %shift_left3A : i32 to vector<176x128xi32>
    %shift_left3A_35 = arith.shli %add3A_33, %shift_left3A_34 : vector<176x128xi32>
    %and3A = arith.constant 1023 : i32
    %and3A_36 = vector.broadcast %and3A : i32 to vector<176x128xi32>
    %and3A_37 = arith.andi %add3A_28, %and3A_36 : vector<176x128xi32>
    %shift_left3A_38 = arith.constant 13 : i32
    %shift_left3A_39 = vector.broadcast %shift_left3A_38 : i32 to vector<176x128xi32>
    %shift_left3A_40 = arith.shli %and3A_37, %shift_left3A_39 : vector<176x128xi32>
    %or3A = arith.ori %shift_left3A_35, %shift_left3A_40 : vector<176x128xi32>
    %bitcast_convert_type3A = tpu.bitcast %or3A : vector<176x128xi32> -> vector<176x128xf32>
    %lt3A = arith.constant 1024 : i32
    %lt3A_41 = vector.broadcast %lt3A : i32 to vector<176x128xi32>
    %lt3A_42 = arith.cmpi slt, %add3A_28, %lt3A_41 : vector<176x128xi32>
    %convert_element_type3A_43 = arith.sitofp %add3A_28 : vector<176x128xi32> to vector<176x128xf32>
    %mul3A_44 = arith.constant 5.96046448E-8 : f32
    %mul3A_45 = vector.broadcast %mul3A_44 : f32 to vector<176x128xf32>
    %mul3A_46 = arith.mulf %convert_element_type3A_43, %mul3A_45 : vector<176x128xf32>
    %select_n3A = arith.select %lt3A_42, %mul3A_46, %bitcast_convert_type3A : vector<176x128xi1>, vector<176x128xf32>
    %get3A_47 = arith.constant 0 : index
    %get3A_48 = arith.constant 0 : index
    %get3A_49 = memref.load %arg1[%get3A_47, %get3A_48] : memref<1x1xf32, #tpu.memory_space<smem>>
    %get3A_50 = arith.constant 0 : index
    %get3A_51 = arith.constant 0 : index
    %get3A_52 = memref.load %arg2[%get3A_50, %get3A_51] : memref<1x1xf32, #tpu.memory_space<smem>>
    %get3A_53 = arith.constant 0 : index
    %get3A_54 = arith.constant 0 : index
    %get3A_55 = memref.load %arg3[%get3A_53, %get3A_54] : memref<1x1xf32, #tpu.memory_space<smem>>
    %mul3A_56 = arith.constant 3.000000e+00 : f32
    %mul3A_57 = arith.mulf %get3A_49, %mul3A_56 : f32
    %floor3A = math.floor %mul3A_57 : f32
    %min3A = arith.minimumf %get3A_52, %floor3A : f32
    %le3A_58 = vector.broadcast %min3A : f32 to vector<176x128xf32>
    %le3A_59 = arith.cmpf ole, %add3A_23, %le3A_58 : vector<176x128xf32>
    %lt3A_60 = vector.broadcast %min3A : f32 to vector<176x128xf32>
    %lt3A_61 = arith.cmpf olt, %sub3A_22, %lt3A_60 : vector<176x128xf32>
    %gt3A_62 = vector.broadcast %min3A : f32 to vector<176x128xf32>
    %gt3A_63 = arith.cmpf ogt, %add3A_23, %gt3A_62 : vector<176x128xf32>
    %and3A_64 = arith.andi %lt3A_61, %gt3A_63 : vector<176x128xi1>
    %mul3A_65 = arith.mulf %reduce_sum3A_3, %select_n3A : vector<176x128xf32>
    %jit3A = arith.constant 0.000000e+00 : f32
    %broadcast_in_dim3A_66 = vector.broadcast %jit3A : f32 to vector<176x128xf32>
    %select_n3A_67 = arith.select %le3A_59, %mul3A_65, %broadcast_in_dim3A_66 : vector<176x128xi1>, vector<176x128xf32>
    %reduce_sum3A_68 = vector.shape_cast %select_n3A_67 : vector<176x128xf32> to vector<1x176x128xf32>
    %reduce_sum3A_69 = arith.constant dense<0.000000e+00> : vector<1xf32>
    %reduce_sum3A_70 = vector.multi_reduction <add>, %reduce_sum3A_68, %reduce_sum3A_69 [1, 2] : vector<1x176x128xf32> to vector<1xf32>
    %reduce_sum3A_71 = vector.shape_cast %reduce_sum3A_70 : vector<1xf32> to vector<1x1x1xf32>
    %reduce_sum3A_72 = vector.extract %reduce_sum3A_71[0, 0, 0] : f32 from vector<1x1x1xf32>
    %sub3A_73 = vector.broadcast %min3A : f32 to vector<176x128xf32>
    %sub3A_74 = arith.subf %sub3A_73, %sub3A_22 : vector<176x128xf32>
    %mul3A_75 = arith.mulf %sub3A_74, %select_n3A : vector<176x128xf32>
    %jit3A_76 = arith.constant 0.000000e+00 : f32
    %broadcast_in_dim3A_77 = vector.broadcast %jit3A_76 : f32 to vector<176x128xf32>
    %select_n3A_78 = arith.select %and3A_64, %mul3A_75, %broadcast_in_dim3A_77 : vector<176x128xi1>, vector<176x128xf32>
    %reduce_sum3A_79 = vector.shape_cast %select_n3A_78 : vector<176x128xf32> to vector<1x176x128xf32>
    %reduce_sum3A_80 = arith.constant dense<0.000000e+00> : vector<1xf32>
    %reduce_sum3A_81 = vector.multi_reduction <add>, %reduce_sum3A_79, %reduce_sum3A_80 [1, 2] : vector<1x176x128xf32> to vector<1xf32>
    %reduce_sum3A_82 = vector.shape_cast %reduce_sum3A_81 : vector<1xf32> to vector<1x1x1xf32>
    %reduce_sum3A_83 = vector.extract %reduce_sum3A_82[0, 0, 0] : f32 from vector<1x1x1xf32>
    %add3A_84 = arith.addf %reduce_sum3A_72, %reduce_sum3A_83 : f32
    %add3A_85 = arith.addf %get3A_55, %add3A_84 : f32
    %add3A_86 = arith.addf %get3A_49, %min3A : f32
    %add3A_87 = arith.constant 9.99999997E-7 : f32
    %add3A_88 = arith.addf %add3A_86, %add3A_87 : f32
    %div3A = arith.divf %add3A_85, %add3A_88 : f32
    %swap3A = arith.constant 0 : index
    %swap3A_89 = arith.constant 0 : index
    %swap3A_90 = memref.load %arg4[%swap3A, %swap3A_89] : memref<1x1xf32, #tpu.memory_space<smem>>
    memref.store %div3A, %arg4[%swap3A, %swap3A_89] : memref<1x1xf32, #tpu.memory_space<smem>>
    return
  }
}

</mosaic_0001>

<sc_bundles>
// kernel: kernel.5.cloned.1.call-start
scs
__scs_entry_jumppad:
0x0: {  	(pc) =	sbr.rel $0x88, $3  }
0x1: {  	(tag) =	ssettag $0x0;
	lr =	simm.s32 $0x1  }
0x2: {  	[smem:$0x3F9E] =	sst lr;
	_ =	strace $0xD0000000  }
0x3: {  	_ = 	snop  }
0x4: {  	_ = 	snop  }
0x5: {  	_ = 	snop  }
0x6: {  	_ = 	snop  }
0x7: {  	_ = 	snop  }
__scs_overlays_trampoline_lowered:
0x8: {  	[smem:$0x3FAD] =	sst s0  }
0x9: {  	[smem:$0x3FAE] =	sst s1  }
0xa: {  	[smem:$0x3FAF] =	sst s2  }
0xb: {  	[smem:$0x3FB0] =	sst s3  }
0xc: {  	[smem:$0x3FB1] =	sst s4  }
0xd: {  	[smem:$0x3FB2] =	sst s5  }
0xe: {  	[smem:$0x3FB3] =	sst s6  }
0xf: {  	[smem:$0x3FB4] =	sst s7  }
0x10: {  	[smem:$0x3FB5] =	sst s8  }
0x11: {  	[smem:$0x3FB6] =	sst s9;
	s0 =	simm.s32 @!p0 $0x0  }
0x12: {  	s1 =	sld [smem:$0x3F9C];
	s0 =	simm.s32 @p0 $0x1  }
0x13: {  	[smem:$0x3FB7] =	sst s0;
	s0 =	simm.s32 @!p1 $0x0  }
0x14: {  	s2 =	sld [smem:$0x3F9B];
	s0 =	simm.s32 @p1 $0x1  }
0x15: {  	[smem:$0x3FB8] =	sst s0;
	s0 =	simm.s32 @!p2 $0x0  }
0x16: {  	s3 =	sld [smem:$0x3FDB];
	s0 =	simm.s32 @p2 $0x1  }
0x17: {  	s4 =	simm.s32 $0x1BF5;
	[smem:$0x3FBA] =	sst s0  }
0x18: {  	s0 =	sld [smem:$0x3F9D];
	_ =	swait.ge [sflag:s4], $0x0  }
0x19: {  	s7 =	sld [smem:$0x3F9E]  }
0x1a: {  	s8 =	sadd.s32 $0xFFFFE003, lr  }
0x1b: {  	s9 =	sadd.s32 $0xFFFFFEF7, lr;
	s5 =	simm.s32 $0xFFFFFFFF;
	p2 =	slt.u32 s8, $0xFFFFF086  }
0x1c: {  	p1 =	slt.u32 s9, $0xF7A;
	s5 =	simm.s32 @!p2 $0x0  }
0x1d: {  	s5 =	simm.s32 @p1 $0x1;
	p0 =	seq.s32 s7, s2  }
0x1e: {  	s7 =	smul.u32 @!p0 $0xF7A, s2;
	p2 =	seq.s32 @!p0 s5, $0x0  }
0x1f: {  	s9 =	smul.u32 $0xF7A, s1;
	s8 =	simm.s32 @!p0 $0x1BF5;
	p2 =	por !p2, p0  }
0x20: {  	[sflag:s8] =	ssyncset.s32 @!p0 $0xFFFFF086;
	s6 =	sadd.s32 @!p0 s3, s7;
	s7 =	simm.s32 @!p0 $0x108  }
0x21: {  	s3 =	sadd.s32 s3, s9;
	s6 =	sadd.s32 @!p0 $0x88, s6;
	s7 =	simm.s32 @p2 $0x1082  }
0x22: {  	[simem:s7], [sflag:s8] =	dma.local @!p0 [hbm:s6], $0xF7A  }
0x23: {  	s9 =	sor.u32 $0xD0000000, s2;
	s6 =	simm.s32 $0x108;
	_ =	swait.ge @!p0 [sflag:s8], $0x0  }
0x24: {  	s3 =	sadd.s32 $0x88, s3;
	s6 =	simm.s32 @!p1 $0x1082;
	[sflag:s4] =	ssyncset.s32 $0xFFFFF086  }
0x25: {  	[simem:s6], [sflag:s4] =	dma.local [hbm:s3], $0xF7A  }
0x26: {  	[smem:$0x3F9E] =	sst s1;
	(tag) =	ssettag s2;
	_ =	strace s9  }
0x27: {  	s1 =	sld [smem:$0x3FAE]  }
0x28: {  	s2 =	sld [smem:$0x3FAF]  }
0x29: {  	s4 =	sld [smem:$0x3FB1]  }
0x2a: {  	p0 =	seq.s32 s5, $0x0;
	s5 =	sld [smem:$0x3FB2]  }
0x2b: {  	s6 =	sld [smem:$0x3FB3]  }
0x2c: {  	s7 =	sld [smem:$0x3FB4]  }
0x2d: {  	s3 =	simm.s32 $0x108;
	s8 =	sld [smem:$0x3FB5]  }
0x2e: {  	s3 =	simm.s32 @!p0 $0x1082;
	s9 =	sld [smem:$0x3FB6]  }
0x2f: {  	lr =	sadd.s32 s0, s3;
	s0 =	sld [smem:$0x3FAD]  }
0x30: {  	s3 =	sld [smem:$0x3FB0]  }
0x31: {  	[smem:$0x3FB9] =	sst s10  }
0x32: {  	s10 =	sld [smem:$0x3FB7];
	_ =	sdelay $0x3  }
0x33: {  	p0 =	seq.s32 s10, $0x1;
	s10 =	sld [smem:$0x3FB9];
	_ =	sdelay $0x3  }
0x34: {  	[smem:$0x3FB9] =	sst s10  }
0x35: {  	s10 =	sld [smem:$0x3FB8];
	_ =	sdelay $0x3  }
0x36: {  	p1 =	seq.s32 s10, $0x1;
	s10 =	sld [smem:$0x3FB9];
	_ =	sdelay $0x3  }
0x37: {  	[smem:$0x3FB9] =	sst s10  }
0x38: {  	s10 =	sld [smem:$0x3FBA]  }
0x39: {  	_ = 	snop;
	(pc) =	sbr.ind lr, $3  }
0x3a: {  	_ = 	snop  }
0x3b: {  	_ = 	snop  }
0x3c: {  	p2 =	seq.s32 s10, $0x1;
	s10 =	sld [smem:$0x3FB9]  }
0x3d: {  	_ =	shalt  }
0x3e: {  	_ =	shalt  }
0x3f: {  	_ =	shalt  }
0x40: {  	_ =	shalt  }
0x41: {  	_ =	shalt  }
0x42: {  	_ =	shalt  }
0x43: {  	_ =	shalt  }
0x44: {  	_ =	shalt  }
0x45: {  	_ =	shalt  }
0x46: {  	_ =	shalt  }
0x47: {  	_ =	shalt  }
0x48: {  	_ =	shalt  }
0x49: {  	_ =	shalt  }
0x4a: {  	_ =	shalt  }
0x4b: {  	_ =	shalt  }
0x4c: {  	_ =	shalt  }
0x4d: {  	_ =	shalt  }
0x4e: {  	_ =	shalt  }
0x4f: {  	_ =	shalt  }
0x50: {  	_ =	shalt  }
0x51: {  	_ =	shalt  }
0x52: {  	_ =	shalt  }
0x53: {  	_ =	shalt  }
0x54: {  	_ =	shalt  }
0x55: {  	_ =	shalt  }
0x56: {  	_ =	shalt  }
0x57: {  	_ =	shalt  }
0x58: {  	_ =	shalt  }
0x59: {  	_ =	shalt  }
0x5a: {  	_ =	shalt  }
0x5b: {  	_ =	shalt  }
0x5c: {  	_ =	shalt  }
0x5d: {  	_ =	shalt  }
0x5e: {  	_ =	shalt  }
0x5f: {  	_ =	shalt  }
0x60: {  	_ =	shalt  }
0x61: {  	_ =	shalt  }
0x62: {  	_ =	shalt  }
0x63: {  	_ =	shalt  }
0x64: {  	_ =	shalt  }
0x65: {  	_ =	shalt  }
0x66: {  	_ =	shalt  }
0x67: {  	_ =	shalt  }
0x68: {  	_ =	shalt  }
0x69: {  	_ =	shalt  }
0x6a: {  	_ =	shalt  }
0x6b: {  	_ =	shalt  }
0x6c: {  	_ =	shalt  }
0x6d: {  	_ =	shalt  }
0x6e: {  	_ =	shalt  }
0x6f: {  	_ =	shalt  }
0x70: {  	_ =	shalt  }
0x71: {  	_ =	shalt  }
0x72: {  	_ =	shalt  }
0x73: {  	_ =	shalt  }
0x74: {  	_ =	shalt  }
0x75: {  	_ =	shalt  }
0x76: {  	_ =	shalt  }
0x77: {  	_ =	shalt  }
0x78: {  	_ =	shalt  }
0x79: {  	_ =	shalt  }
0x7a: {  	_ =	shalt  }
0x7b: {  	_ =	shalt  }
0x7c: {  	_ =	shalt  }
0x7d: {  	_ =	shalt  }
0x7e: {  	_ =	shalt  }
0x7f: {  	_ =	shalt  }
0x80: {  	_ =	shalt  }
0x81: {  	_ =	shalt  }
0x82: {  	_ =	shalt  }
0x83: {  	_ =	shalt  }
0x84: {  	_ =	shalt  }
0x85: {  	_ =	shalt  }
0x86: {  	_ =	shalt  }
0x87: {  	_ =	shalt  }
.Lfunc_end0:
.L_simem_size_0:
called_computation_lowered:
.L_overlay_start_0:
0x88: {  	s2 =	sld [smem:$0x3FD9]  }
0x89: {  	s3 =	sld [smem:$0x3FFE];
	_ =	sdelay $0x1  }
0x8a: {  	s1 =	srdreg.scid  }
0x8b: {  	s0 =	sand.u32 $0x1, s1  }
0x8c: {  	s16 =	sshll.u32 s0, $0xA;
	s2 =	sadd.s32 s3, s2  }
0x8d: {  	s2 =	sadd.s32 s2, s16  }
0x8e: {  	[smem:$0x3FC5] =	sst s2  }
0x8f: {  	_ = 	snop  }
0x90: {  	(tm) =	ssettm $0x1  }
0x91: {  	s17 =	sld [smem:$0x3FFB];
	_ =	sdelay $0x3  }
0x92: {  	_ =	strace s17  }
0x93: {  	s2 =	sld [smem:$0x3FFC];
	_ =	sdelay $0x3  }
0x94: {  	_ =	strace s2  }
0x95: {  	s2 =	sld [smem:$0x3FFD];
	_ =	sdelay $0x3  }
0x96: {  	_ =	strace s2  }
0x97: {  	_ =	strace $0x8FFFFFFF  }
0x98: {  	s18 =	sld [smem:$0x3FDB];
	_ =	sdelay $0x1  }
0x99: {  	s19 =	simm.s32 $_scs_section_size  }
0x9a: {  	s4 =	simm.s32 $_size__tile_overlayer_lowered;
	s5 =	simm.s32 $_tile_overlayer_lowered  }
0x9b: {  	s22 =	simm.s32 $0x1BFF;
	s21 =	sshll.u32 s5, $0x1;
	s2 =	sadd.s32 s19, s18  }
0x9c: {  	s6 =	simm.s32 $0x0;
	s20 =	sshll.u32 s4, $0x1;
	s4 =	sadd.s32 s21, s2  }
0x9d: {  	[timem:s6], [sflag:s22] =	dma.local [hbm:s4], s20  }
0x9e: {  	_ =	swait.ge [sflag:s22], s20  }
0x9f: {  	s3 =	ssub.s32 $0x0, s20;
	[sflag:s22] =	ssyncset.done $0x0  }
0xa0: {  	[sflag:s22] =	ssyncadd.s32 s3;
	_ =	sdelay $0x1  }
0xa1: {  	s23 =	simm.s32 $0x1B8B  }
0xa2: {  	_ =	swait.ge [sflag:s23], $0x1  }
0xa3: {  	[sflag:s23] =	ssyncset.done $0x0  }
0xa4: {  	s25 =	simm.s32 $0x1B8E;
	s24 =	sld [smem:$0x3FFE];
	[sflag:s23] =	ssyncadd.s32 $0xFFFFFFFF  }
0xa5: {  	s26 =	simm.s32 $execute0_lowered;
	[smem:$0x3FD2] =	sst s25  }
0xa6: {  	s4 =	sshll.u32 s26, $0x1;
	_ =	strace $0x80000046;
	[dreg:$0x1] =	wrdreg $0xFFFFFFFF  }
0xa7: {  	s28 =	simm.s32 $_size_execute0_lowered;
	s2 =	sadd.s32 s2, s4;
	[dreg:$0x0] =	wrdreg $0x0  }
0xa8: {  	s4 =	sshll.u32 s28, $0x1;
	[dreg:$0x2] =	wrdreg s2  }
0xa9: {  	[dreg:$0x3] =	wrdreg s4  }
0xaa: {  	[dreg:$0x4] =	wrdreg $0xC0  }
0xab: {  	_ =	task [dreg:s6], $0x5FFFF  }
0xac: {  	[dreg:$0x1] =	wrdreg $0xFFFFFFFF  }
0xad: {  	[dreg:$0x0] =	wrdreg $0x60  }
0xae: {  	[dreg:$0x2] =	wrdreg s24  }
0xaf: {  	[dreg:$0x3] =	wrdreg $0x9  }
0xb0: {  	_ =	task.clear_ibuf [dreg:s6], $0x4FFFF;
	_ =	strace $0x90000046  }
0xb1: {  	s29 =	simm.s32 $0x9;
	_ =	strace $0x80000048  }
0xb2: {  	_ =	swait.ge [sflag:s29], $0x1  }
0xb3: {  	[sflag:s29] =	ssyncadd.s32 $0xFFFFFFFF  }
0xb4: {  	_ =	strace $0x90000048  }
0xb5: {  	_ =	sfence  }
0xb6: {  	s30 =	sld [smem:$0x0];
	_ =	sdelay $0x2  }
0xb7: {  	s31 =	sshll.u32 s1, $0xD;
	s1 =	sshrl.u32 s1, $0x2  }
0xb8: {  	s3 =	sand.u32 $0x4000, s31;
	s1 =	sadd.s32 s1, s30  }
0xb9: {  	s0 =	sor.u32 s3, s0;
	s1 =	sshll.u32 s1, $0x11  }
0xba: {  	s0 =	sor.u32 s1, s0  }
0xbb: {  	s0 =	sadd.s32 $0x8F2B, s0  }
0xbc: {  	[sflag:s0] =	ssyncadd.remote.s32 $0x1  }
0xbd: {  	_ =	sfence.sel $0xFFFF  }
0xbe: {  	[dreg:$0x0] =	wrdreg $0xFFFFFFFF;
	(pc) =	sbr.abs _section_cstart, $3  }
0xbf: {  	[dreg:$0x1] =	wrdreg $0xFFFFFFFF  }
0xc0: {  	_ =	task.clear_ibuf [dreg:s6], $0x2FFFF;
	_ =	strace $0x9FFFFFFF  }
0xc1: {  	(tm) =	ssettm $0x7FFFFFFF  }
tec
execute0_lowered:
.L_overlay_start_1:
0x0: {  	(tag) =	ssettag $0x1  }
0x1: {  	s0 =	srdreg.scid  }
0x2: {  	s3 =	sand.u32 $0x1, s0  }
0x3: {  	s0 =	stileid.u32;
	s1 =	sshll.u32 s3, $0x4  }
0x4: {  	s5 =	sand.u32 $0x7, s0;
	s4 =	sor.u32 s0, s1  }
0x5: {  	p1 =	sne.s32 s5, $0x0;
	p0 =	seq.s32 s4, $0x0  }
0x6: {  	p0 =	por !p1, !p0  }
0x7: {  	s6 =	rddreg [dreg:$0x0];
	s7 =	simm.s32 $0x1;
	p0 =	por !p0, !p0  }
0x8: {  	s2 =	simm.s32 $0x0;
	s8 =	sshrl.u32 s4, $0x3;
	s7 =	simm.s32 @!p0 $0x0  }
0x9: {  	s9 =	simm.s32 $0x0;
	[smem:$0x7FF] =	sst s2;
	s7 =	ssub.s32 s8, s7  }
0xa: {  	s30 =	ssub.s32 $0x2, s3;
	s5 =	sshll.u32 s5, $0xF;
	s7 =	sshll.u32 s7, $0x12  }
0xb: {  	s3 =	simm.s32 $0x1;
	s1 =	rddreg [dreg:$0x1];
	s5 =	sor.u32 s5, s7  }
0xc: {  	_ =	strace $0x80000047;
	s4 =	smul.u32 $0xB00, s4;
	s5 =	sshrl.u32 s5, $0x3  }
0xd: {  	s31 =	sshrl.u32 s30, $0x1;
	s8 =	simm.s32 $0x2;
	s5 =	sadd.s32 s5, s6  }
0xe: {  	s7 =	ssub.s32 s30, s31;
	s6 =	sadd.s32 s4, s6;
	s4 =	sadd.s32 $0x1600, s5  }
0xf: {  	v0 =	vimm.f32 $0.0e+00;
	s5 =	sadd.s32 $0x21600, s6;
	s6 =	smax.u32 s7, $0x1;
	s7 =	simm.s32 $0x8000  }
.LBB2_1:
0x10: {  	[tilespmem:s2], [sflag:$0x1] =	stream.linear.gather [hbm4b:s4+s2], $0x8000, $0x38;
	[tilespmem:$0xD800] =	vst v63  }
0x11: {  	s10 =	simm.s32 $0x8040  }
0x12: {  	[tilespmem:s10+$0xFFFFFFC0] =	vst v0  }
0x13: {  	[tilespmem:s10+$0x30] =	vst v0  }
0x14: {  	[tilespmem:s10+$0x20] =	vst v0  }
0x15: {  	[tilespmem:s10+$0x10] =	vst v0  }
0x16: {  	[tilespmem:s10+$0x0] =	vst v0  }
0x17: {  	[tilespmem:s10+$0xFFFFFFF0] =	vst v0  }
0x18: {  	s11 =	simm.s32 $0x0;
	[tilespmem:s10+$0xFFFFFFE0] =	vst v0  }
.LBB2_2:
0x19: {  	s11 =	sadd.s32 $0x80, s11;
	[tilespmem:s10+$0xFFFFFFD0] =	vst v0;
	s10 =	sadd.s32 $0x80, s10  }
0x1a: {  	[tilespmem:s10+$0xFFFFFFC0] =	vst v0;
	p0 =	slt.u32 s11, $0x5780  }
0x1b: {  	[tilespmem:s10+$0x30] =	vst v0  }
.Ltmp0:
0x1c: {  	[tilespmem:s10+$0x20] =	vst v0;
	(pc) =	sbr.rel @p0 .LBB2_2-.Ltmp0, $4  }
0x1d: {  	[tilespmem:s10+$0x10] =	vst v0  }
0x1e: {  	[tilespmem:s10+$0x0] =	vst v0  }
0x1f: {  	[tilespmem:s10+$0xFFFFFFF0] =	vst v0  }
0x20: {  	[tilespmem:s10+$0xFFFFFFE0] =	vst v0  }
0x21: {  	[tilespmem:s10+$0xFFFFFFD0] =	vst v0;
	s26 =	simm.s32 $0x0;
	s11 =	simm.s32 $0x0  }
0x22: {  	_ =	swait.ge [sflag:s3], $0x8000;
	s11 =	sand.u32 $0x7000, s11;
	s13 =	sand.u32 $0x800, s26  }
0x23: {  	s10 =	sand.u32 $0x380, s26;
	[sflag:s3] =	ssyncset.done $0x0;
	s13 =	sor.u32 s13, s11  }
0x24: {  	[sflag:s3] =	ssyncadd.s32 $0xFFFF8000;
	s28 =	sor.u32 s10, s13  }
0x25: {  	v1 =	vld [tilespmem:s28+$0x470]  }
0x26: {  	v3 =	vld [tilespmem:s28+$0x10]  }
0x27: {  	s12 =	sand.u32 $0x2000, s26;
	v4 =	vld [tilespmem:s28+$0x20]  }
0x28: {  	s12 =	sshrl.u32 s12, $0x2;
	v5 =	vld [tilespmem:s28+$0x30]  }
0x29: {  	s11 =	sor.u32 s12, s11;
	v6 =	vld [tilespmem:s28+$0x40]  }
0x2a: {  	s10 =	sor.u32 s10, s11;
	v7 =	vld [tilespmem:s28+$0x50]  }
0x2b: {  	v9 =	vimm.s32 $0x0;
	v19 =	vimm.s32 $0x0;
	v2 =	vld [tilespmem:s10+$0x0]  }
0x2c: {  	v32 =	vand.u32 $0xFFFF, v1;
	v1 =	vshrl.u32 v1, $0x10;
	v35 =	vand.u32 $0xFFFF, v3  }
0x2d: {  	v42 =	vand.u32 $0xFFFF, v4;
	v10 =	vshrl.u32 v4, $0x10;
	v43 =	vand.u32 $0xFFFF, v5  }
0x2e: {  	v11 =	vshrl.u32 v5, $0x10;
	v44 =	vand.u32 $0xFFFF, v6;
	v6 =	vshrl.u32 v6, $0x10  }
0x2f: {  	v37 =	vand.u32 $0xFFFF, v7;
	vm0 =	vne.s32 v32, $0x0;
	vm1 =	vne.s32 v1, $0x0  }
0x30: {  	v7 =	vshrl.u32 v7, $0x10;
	v34 =	vand.u32 $0xFFFF, v2;
	vm0 =	vmand vm0, vm1  }
0x31: {  	v8 =	vshrl.u32 v2, $0x10;
	v33 =	vcvt.s32.f32 v1;
	v9 =	vsel vm0, $0xFFFFFFFF, v9  }
0x32: {  	v2 =	vld [tilespmem:s28+$0x60];
	vm4 =	vne.s32 v35, $0x0;
	vm7 =	vne.s32 v42, $0x0;
	vm8 =	vne.s32 v10, $0x0;
	[tilespmem:$0x1FF00] =	vst v9  }
0x33: {  	vm9 =	vne.s32 v43, $0x0;
	vm10 =	vne.s32 v11, $0x0;
	v9 =	vshrl.u32 v3, $0x10;
	v3 =	vld [tilespmem:s28+$0x70]  }
0x34: {  	vm11 =	vne.s32 v44, $0x0;
	vm12 =	vne.s32 v6, $0x0;
	vm13 =	vne.s32 v37, $0x0;
	v4 =	vld [tilespmem:s10+$0x400]  }
0x35: {  	vm14 =	vne.s32 v7, $0x0;
	vm1 =	vne.s32 v34, $0x0;
	vm5 =	vne.s32 v8, $0x0;
	v5 =	vld [tilespmem:s28+$0x410]  }
0x36: {  	vm7 =	vmand vm7, vm8;
	vm13 =	vmand vm13, vm14;
	vm6 =	vmand vm1, vm5;
	v12 =	vld [tilespmem:s28+$0x420]  }
0x37: {  	vm5 =	vmand vm9, vm10;
	v14 =	vld [tilespmem:s28+$0x430];
	v45 =	vand.u32 $0xFFFF, v2;
	v13 =	vshrl.u32 v2, $0x10  }
0x38: {  	vm3 =	vne.s32 v9, $0x0;
	v18 =	vld [tilespmem:s28+$0x460];
	vm15 =	vne.s32 v45, $0x0;
	vm0 =	vne.s32 v13, $0x0  }
0x39: {  	vm10 =	vmand vm11, vm12;
	vm4 =	vmand vm4, vm3;
	vm0 =	vmand vm15, vm0  }
0x3a: {  	v46 =	vand.u32 $0xFFFF, v3;
	v15 =	vshrl.u32 v3, $0x10;
	v38 =	vand.u32 $0xFFFF, v4  }
0x3b: {  	v16 =	vshrl.u32 v4, $0x10;
	v4 =	vld [tilespmem:s28+$0x440];
	v39 =	vand.u32 $0xFFFF, v5;
	v17 =	vshrl.u32 v5, $0x10  }
0x3c: {  	v5 =	vld [tilespmem:s28+$0x450];
	v1 =	vand.u32 $0xFFFF, v12;
	v12 =	vshrl.u32 v12, $0x10;
	v2 =	vand.u32 $0xFFFF, v14  }
0x3d: {  	v14 =	vshrl.u32 v14, $0x10;
	v23 =	vshrl.u32 v18, $0x10;
	vm2 =	vne.s32 v46, $0x0  }
0x3e: {  	vm1 =	vne.s32 v15, $0x0;
	vm3 =	vne.s32 v38, $0x0;
	vm8 =	vne.s32 v16, $0x0  }
0x3f: {  	vm9 =	vne.s32 v39, $0x0;
	vm11 =	vne.s32 v17, $0x0;
	vm14 =	vne.s32 v1, $0x0  }
0x40: {  	vm15 =	vne.s32 v12, $0x0;
	vm12 =	vmand vm3, vm8;
	vm8 =	vmand vm9, vm11  }
0x41: {  	v3 =	vand.u32 $0xFFFF, v4;
	v21 =	vshrl.u32 v4, $0x10;
	v4 =	vand.u32 $0xFFFF, v5  }
0x42: {  	v22 =	vshrl.u32 v5, $0x10;
	v5 =	vand.u32 $0xFFFF, v18;
	v18 =	vimm.s32 $0x0  }
0x43: {  	s29 =	simm.s32 $0x2000;
	s11 =	simm.s32 $0x800;
	s10 =	simm.s32 $0x100;
	vm1 =	vmand vm2, vm1;
	vm2 =	vne.s32 v2, $0x0;
	v18 =	vsel vm8, $0xFFFFFFFF, v18  }
0x44: {  	s12 =	simm.s32 $0x40;
	s15 =	sand.u32 $0x800, s11;
	s14 =	sand.u32 $0x7000, s10;
	vm3 =	vne.s32 v14, $0x0;
	vm9 =	vmand vm14, vm15;
	[tilespmem:$0x1FFF0] =	vst v18;
	v18 =	vimm.s32 $0x0  }
0x45: {  	s30 =	sand.u32 $0x2000, s29;
	s16 =	sand.u32 $0x380, s12;
	v50 =	vcvt.s32.f32 v10;
	s15 =	sor.u32 s15, s14;
	vm2 =	vmand vm2, vm3;
	v18 =	vsel vm9, $0xFFFFFFFF, v18  }
0x46: {  	s13 =	sshrl.u32 s30, $0x2;
	s31 =	sor.u32 s16, s15;
	v19 =	vsel vm2, $0xFFFFFFFF, v19;
	vm8 =	vne.s32 v3, $0x0;
	vm9 =	vne.s32 v21, $0x0;
	[tilespmem:$0x1FEB0] =	vst v18  }
0x47: {  	v10 =	vimm.s32 $0x0;
	s14 =	sor.u32 s13, s14;
	vm3 =	vmand vm8, vm9;
	v18 =	vld [tilespmem:s31+$0x470];
	[tilespmem:$0x1FEC0] =	vst v19;
	v19 =	vimm.s32 $0x0  }
0x48: {  	v63 =	vld [tilespmem:$0x1FF00];
	s14 =	sor.u32 s16, s14;
	vm2 =	vne.s32 v4, $0x0;
	v19 =	vsel vm3, $0xFFFFFFFF, v19;
	vm3 =	vne.s32 v22, $0x0  }
0x49: {  	v41 =	vcvt.s32.f32 v8;
	v49 =	vcvt.s32.f32 v9;
	v8 =	vld [tilespmem:s14+$0x0];
	[tilespmem:$0x1FED0] =	vst v19;
	vm2 =	vmand vm2, vm3  }
0x4a: {  	vm3 =	vne.s32 v23, $0x0;
	v9 =	vld [tilespmem:s31+$0x10];
	v10 =	vsel vm2, $0xFFFFFFFF, v10;
	vm2 =	vne.s32 v5, $0x0  }
0x4b: {  	v52 =	vcvt.s32.f32 v6;
	v6 =	vld [tilespmem:s31+$0x20];
	[tilespmem:$0x1FEE0] =	vst v10;
	vm2 =	vmand vm2, vm3;
	v10 =	vimm.s32 $0x0  }
0x4c: {  	v53 =	vcvt.s32.f32 v7;
	v7 =	vld [tilespmem:s31+$0x30];
	v10 =	vsel vm2, $0xFFFFFFFF, v10  }
0x4d: {  	v54 =	vcvt.s32.f32 v13;
	v13 =	vld [tilespmem:s31+$0x40];
	[tilespmem:$0x1FEF0] =	vst v10  }
0x4e: {  	v19 =	vcvt.s32.f32 v14;
	v40 =	vand.u32 $0xFFFF, v18;
	v14 =	vshrl.u32 v18, $0x10;
	v24 =	vld [tilespmem:s31+$0x50]  }
0x4f: {  	vm2 =	vne.s32 v40, $0x0;
	vm3 =	vne.s32 v14, $0x0;
	v36 =	vld [tilespmem:s14+$0x400]  }
0x50: {  	vm8 =	vmand vm2, vm3;
	v58 =	vld [tilespmem:s31+$0x430];
	vm2 =	vnez.u8 v63  }
0x51: {  	v51 =	vcvt.s32.f32 v11;
	v25 =	vld [tilespmem:s31+$0x60]  }
0x52: {  	v55 =	vcvt.s32.f32 v15;
	v18 =	vcvt.s32.f32 v21;
	v29 =	vld [tilespmem:s31+$0x70]  }
0x53: {  	v15 =	vand.u32 $0xFFFF, v8;
	v26 =	vshrl.u32 v8, $0x10;
	v47 =	vld [tilespmem:s31+$0x410];
	v11 =	vand.u32 $0xFFFF, v6  }
0x54: {  	v61 =	vld [tilespmem:s31+$0x450];
	v21 =	vshrl.u32 v6, $0x10;
	v8 =	vand.u32 $0xFFFF, v24;
	v27 =	vshrl.u32 v24, $0x10  }
0x55: {  	v48 =	vld [tilespmem:s31+$0x420];
	v6 =	vand.u32 $0xFFFF, v36;
	v24 =	vshrl.u32 v36, $0x10;
	v36 =	vand.u32 $0xFFFF, v58  }
0x56: {  	[tilespmem:v32+s7+$0x0] =	vst.idx.add.f32.msk vm2, v33;
	v32 =	vshrl.u32 v58, $0x10;
	vm2 =	vne.s32 v15, $0x0;
	v58 =	vimm.s32 $0x0  }
0x57: {  	v60 =	vcvt.s32.f32 v14;
	v62 =	vld [tilespmem:s31+$0x460];
	v33 =	vsel vm2, $0xFFFFFFFF, v58  }
0x58: {  	v59 =	vld [tilespmem:s31+$0x440];
	[tilespmem:$0x1FF10] =	vst v33  }
0x59: {  	v10 =	vand.u32 $0xFFFF, v9;
	[tilespmem:v40+s7+$0x0] =	vst.idx.add.f32.msk vm8, v60;
	v40 =	vand.u32 $0xFFFF, v61  }
0x5a: {  	[tilespmem:v34+s7+$0x0] =	vst.idx.add.f32.msk vm6, v41;
	v34 =	vshrl.u32 v61, $0x10;
	vm6 =	vne.s32 v10, $0x0;
	v61 =	vimm.s32 $0x0  }
0x5b: {  	v58 =	vsel vm6, $0xFFFFFFFF, v61  }
0x5c: {  	v56 =	vcvt.s32.f32 v16;
	v31 =	vshrl.u32 v9, $0x10;
	v41 =	vand.u32 $0xFFFF, v62;
	[tilespmem:$0x1FF20] =	vst v58  }
0x5d: {  	[tilespmem:v35+s7+$0x0] =	vst.idx.add.f32.msk vm4, v49;
	v35 =	vshrl.u32 v62, $0x10;
	vm4 =	vne.s32 v31, $0x0;
	v62 =	vimm.s32 $0x0  }
0x5e: {  	v57 =	vcvt.s32.f32 v17;
	v20 =	vcvt.s32.f32 v12;
	v49 =	vsel vm4, $0xFFFFFFFF, v62  }
0x5f: {  	v63 =	vimm.s32 $0x0;
	v12 =	vand.u32 $0xFFFF, v7;
	vm6 =	vne.s32 v21, $0x0;
	[tilespmem:$0x1FF30] =	vst v49  }
0x60: {  	v49 =	vimm.s32 $0x0;
	[tilespmem:v42+s7+$0x0] =	vst.idx.add.f32.msk vm7, v50;
	v42 =	vsel vm6, $0xFFFFFFFF, v63;
	vm6 =	vne.s32 v12, $0x0  }
0x61: {  	v16 =	vcvt.s32.f32 v23;
	v17 =	vcvt.s32.f32 v22;
	[tilespmem:$0x1FF40] =	vst v42;
	v42 =	vsel vm6, $0xFFFFFFFF, v49  }
0x62: {  	v28 =	vshrl.u32 v7, $0x10;
	v7 =	vand.u32 $0xFFFF, v13;
	v23 =	vshrl.u32 v25, $0x10;
	[tilespmem:$0x1FF50] =	vst v42  }
0x63: {  	v22 =	vshrl.u32 v13, $0x10;
	vm11 =	vne.s32 v23, $0x0;
	v50 =	vimm.s32 $0x0;
	[tilespmem:v43+s7+$0x0] =	vst.idx.add.f32.msk vm5, v51  }
0x64: {  	v13 =	vand.u32 $0xFFFF, v25;
	v14 =	vand.u32 $0xFFFF, v29;
	v42 =	vsel vm11, $0xFFFFFFFF, v50;
	[tilespmem:v44+s7+$0x0] =	vst.idx.add.f32.msk vm10, v52  }
0x65: {  	v30 =	vshrl.u32 v29, $0x10;
	vm2 =	vne.s32 v14, $0x0;
	v51 =	vimm.s32 $0x0;
	[tilespmem:$0x1FF60] =	vst v42  }
0x66: {  	v52 =	vimm.s32 $0x0;
	[tilespmem:v37+s7+$0x0] =	vst.idx.add.f32.msk vm13, v53;
	v37 =	vsel vm2, $0xFFFFFFFF, v51;
	vm2 =	vne.s32 v30, $0x0  }
0x67: {  	vm11 =	vne.s32 v6, $0x0;
	v53 =	vimm.s32 $0x0;
	[tilespmem:$0x1FF70] =	vst v37;
	v37 =	vsel vm2, $0xFFFFFFFF, v52  }
0x68: {  	v9 =	vand.u32 $0xFFFF, v47;
	v29 =	vshrl.u32 v47, $0x10;
	[tilespmem:$0x1FF80] =	vst v37;
	v37 =	vsel vm11, $0xFFFFFFFF, v53  }
0x69: {  	v47 =	vand.u32 $0xFFFF, v48;
	v25 =	vshrl.u32 v48, $0x10;
	v48 =	vand.u32 $0xFFFF, v59;
	[tilespmem:$0x1FF90] =	vst v37  }
0x6a: {  	v33 =	vshrl.u32 v59, $0x10;
	v58 =	vimm.s32 $0x0;
	[tilespmem:v45+s7+$0x0] =	vst.idx.add.f32.msk vm0, v54;
	vm0 =	vne.s32 v24, $0x0  }
0x6b: {  	v59 =	vimm.s32 $0x0;
	v37 =	vsel vm0, $0xFFFFFFFF, v58;
	vm0 =	vne.s32 v9, $0x0  }
0x6c: {  	v60 =	vimm.s32 $0x0;
	[tilespmem:$0x1FFA0] =	vst v37;
	v37 =	vsel vm0, $0xFFFFFFFF, v59;
	vm0 =	vne.s32 v29, $0x0  }
0x6d: {  	[tilespmem:$0x1FFB0] =	vst v37;
	v37 =	vsel vm0, $0xFFFFFFFF, v60  }
0x6e: {  	v61 =	vimm.s32 $0x0;
	vm0 =	vne.s32 v47, $0x0;
	[tilespmem:$0x1FFC0] =	vst v37  }
0x6f: {  	v62 =	vimm.s32 $0x0;
	v37 =	vsel vm0, $0xFFFFFFFF, v61;
	vm0 =	vne.s32 v36, $0x0;
	[tilespmem:v46+s7+$0x0] =	vst.idx.add.f32.msk vm1, v55  }
0x70: {  	[tilespmem:$0x1FFD0] =	vst v37;
	v37 =	vsel vm0, $0xFFFFFFFF, v62  }
0x71: {  	[tilespmem:$0x1FFE0] =	vst v37  }
0x72: {  	[tilespmem:v38+s7+$0x0] =	vst.idx.add.f32.msk vm12, v56  }
0x73: {  	v63 =	vld [tilespmem:$0x1FFF0];
	_ =	sdelay $0x4  }
0x74: {  	vm1 =	vnez.u8 v63;
	_ =	sdelay $0x1  }
0x75: {  	vm3 =	vne.s32 v26, $0x0;
	vm9 =	vne.s32 v27, $0x0;
	vm14 =	vne.s32 v32, $0x0  }
0x76: {  	vm8 =	vne.s32 v22, $0x0;
	vm15 =	vne.s32 v34, $0x0;
	vm4 =	vne.s32 v11, $0x0  }
0x77: {  	vm7 =	vne.s32 v28, $0x0;
	vm6 =	vne.s32 v7, $0x0;
	vm5 =	vne.s32 v8, $0x0  }
0x78: {  	vm10 =	vne.s32 v13, $0x0;
	vm13 =	vne.s32 v41, $0x0;
	vm11 =	vne.s32 v25, $0x0  }
0x79: {  	s13 =	simm.s32 $0x4000;
	vm0 =	vne.s32 v33, $0x0;
	vm12 =	vne.s32 v48, $0x0;
	[tilespmem:v39+s7+$0x0] =	vst.idx.add.f32.msk vm1, v57;
	vm1 =	vne.s32 v40, $0x0  }
.LBB2_4:
0x7a: {  	v50 =	vcvt.s32.f32 v26;
	vm2 =	vne.s32 v35, $0x0;
	v26 =	vimm.s32 $0x0  }
0x7b: {  	v26 =	vsel vm2, $0xFFFFFFFF, v26  }
0x7c: {  	[tilespmem:$0x1FE00] =	vst v26;
	v26 =	vld [tilespmem:$0x1FEB0];
	_ =	sdelay $0x4  }
0x7d: {  	vm2 =	vnez.u8 v26;
	_ =	sdelay $0x5  }
0x7e: {  	[tilespmem:v1+s7+$0x0] =	vst.idx.add.f32.msk vm2, v20  }
0x7f: {  	v20 =	vld [tilespmem:$0x1FF10];
	_ =	sdelay $0x4  }
0x80: {  	vm2 =	vnez.u8 v20  }
0x81: {  	v20 =	vimm.s32 $0x0;
	vm2 =	vmand vm2, vm3  }
0x82: {  	v20 =	vsel vm2, $0xFFFFFFFF, v20  }
0x83: {  	[tilespmem:$0x1FE10] =	vst v20;
	v20 =	vld [tilespmem:$0x1FEC0];
	_ =	sdelay $0x4  }
0x84: {  	vm2 =	vnez.u8 v20;
	_ =	sdelay $0x5  }
0x85: {  	[tilespmem:v2+s7+$0x0] =	vst.idx.add.f32.msk vm2, v19  }
0x86: {  	v19 =	vld [tilespmem:$0x1FF20];
	_ =	sdelay $0x4  }
0x87: {  	vm2 =	vnez.u8 v19;
	v19 =	vld [tilespmem:$0x1FF30];
	_ =	sdelay $0x4  }
0x88: {  	vm3 =	vnez.u8 v19  }
0x89: {  	v19 =	vimm.s32 $0x0;
	vm2 =	vmand vm2, vm3  }
0x8a: {  	v19 =	vsel vm2, $0xFFFFFFFF, v19  }
0x8b: {  	[tilespmem:$0x1FE20] =	vst v19;
	v19 =	vld [tilespmem:$0x1FED0];
	_ =	sdelay $0x4  }
0x8c: {  	vm2 =	vnez.u8 v19;
	_ =	sdelay $0x5  }
0x8d: {  	[tilespmem:v3+s7+$0x0] =	vst.idx.add.f32.msk vm2, v18  }
0x8e: {  	v18 =	vld [tilespmem:$0x1FF40];
	_ =	sdelay $0x4  }
0x8f: {  	vm2 =	vnez.u8 v18  }
0x90: {  	v18 =	vimm.s32 $0x0;
	vm2 =	vmand vm4, vm2  }
0x91: {  	v18 =	vsel vm2, $0xFFFFFFFF, v18  }
0x92: {  	[tilespmem:$0x1FE30] =	vst v18;
	v18 =	vld [tilespmem:$0x1FEE0];
	_ =	sdelay $0x4  }
0x93: {  	vm2 =	vnez.u8 v18;
	_ =	sdelay $0x5  }
0x94: {  	[tilespmem:v4+s7+$0x0] =	vst.idx.add.f32.msk vm2, v17  }
0x95: {  	v17 =	vld [tilespmem:$0x1FF50];
	_ =	sdelay $0x4  }
0x96: {  	vm2 =	vnez.u8 v17  }
0x97: {  	v17 =	vimm.s32 $0x0;
	vm2 =	vmand vm2, vm7  }
0x98: {  	v17 =	vsel vm2, $0xFFFFFFFF, v17  }
0x99: {  	[tilespmem:$0x1FE40] =	vst v17;
	v17 =	vld [tilespmem:$0x1FEF0];
	_ =	sdelay $0x4  }
0x9a: {  	vm2 =	vnez.u8 v17;
	_ =	sdelay $0x5  }
0x9b: {  	[tilespmem:v5+s7+$0x0] =	vst.idx.add.f32.msk vm2, v16;
	vm2 =	vmand vm6, vm8;
	v16 =	vimm.s32 $0x0  }
0x9c: {  	v16 =	vsel vm2, $0xFFFFFFFF, v16  }
0x9d: {  	vm2 =	vmand vm5, vm9;
	[tilespmem:$0x1FE50] =	vst v16;
	v16 =	vimm.s32 $0x0  }
0x9e: {  	v16 =	vsel vm2, $0xFFFFFFFF, v16  }
0x9f: {  	[tilespmem:$0x1FE60] =	vst v16;
	v16 =	vld [tilespmem:$0x1FF60];
	_ =	sdelay $0x1  }
0xa0: {  	v37 =	vimm.s32 $0x0  }
0xa1: {  	v37 =	vsel vm10, $0xFFFFFFFF, v37  }
0xa2: {  	[tilespmem:$0x1FDF0] =	vst v37  }
0xa3: {  	vm2 =	vnez.u8 v16;
	v16 =	vld [tilespmem:$0x1FDF0];
	_ =	sdelay $0x4  }
0xa4: {  	vm3 =	vnez.u8 v16  }
0xa5: {  	v16 =	vimm.s32 $0x0;
	vm2 =	vmand vm3, vm2  }
0xa6: {  	v16 =	vsel vm2, $0xFFFFFFFF, v16  }
0xa7: {  	[tilespmem:$0x1FE70] =	vst v16;
	v16 =	vld [tilespmem:$0x1FF70];
	_ =	sdelay $0x4  }
0xa8: {  	vm2 =	vnez.u8 v16;
	v16 =	vld [tilespmem:$0x1FF80];
	_ =	sdelay $0x1  }
0xa9: {  	v20 =	vcvt.s32.f32 v25;
	v25 =	vld [tilespmem:$0x1FF90];
	_ =	sdelay $0x2  }
0xaa: {  	vm3 =	vnez.u8 v16  }
0xab: {  	v16 =	vimm.s32 $0x0;
	vm2 =	vmand vm2, vm3  }
0xac: {  	v16 =	vsel vm2, $0xFFFFFFFF, v16;
	vm2 =	vnez.u8 v25;
	v25 =	vld [tilespmem:$0x1FFA0];
	_ =	sdelay $0x4  }
0xad: {  	vm3 =	vnez.u8 v25  }
0xae: {  	v25 =	vimm.s32 $0x0;
	vm2 =	vmand vm2, vm3  }
0xaf: {  	v25 =	vsel vm2, $0xFFFFFFFF, v25  }
0xb0: {  	[tilespmem:$0x1FE90] =	vst v25;
	v25 =	vld [tilespmem:$0x1FFB0];
	_ =	sdelay $0x4  }
0xb1: {  	vm2 =	vnez.u8 v25;
	v25 =	vld [tilespmem:$0x1FFC0];
	_ =	sdelay $0x3  }
0xb2: {  	s14 =	sand.u32 $0x2000, s13  }
0xb3: {  	s10 =	sadd.s32 $0x100, s10;
	s11 =	sadd.s32 $0x800, s11;
	s12 =	sadd.s32 $0x40, s12;
	vm3 =	vnez.u8 v25  }
0xb4: {  	s14 =	sshrl.u32 s14, $0x2;
	s15 =	sand.u32 $0x7000, s10;
	s16 =	sand.u32 $0x800, s11;
	v25 =	vimm.s32 $0x0;
	vm2 =	vmand vm2, vm3  }
0xb5: {  	s17 =	sand.u32 $0x380, s12;
	s14 =	sor.u32 s14, s15;
	s15 =	sor.u32 s16, s15;
	v25 =	vsel vm2, $0xFFFFFFFF, v25  }
0xb6: {  	s31 =	sor.u32 s17, s15;
	[tilespmem:$0x1FEA0] =	vst v25;
	v25 =	vld [tilespmem:$0x1FFD0]  }
0xb7: {  	v49 =	vcvt.s32.f32 v21;
	v21 =	vld [tilespmem:s31+$0x470]  }
0xb8: {  	v26 =	vld [tilespmem:$0x1FFE0]  }
0xb9: {  	v46 =	vcvt.s32.f32 v31;
	v43 =	vcvt.s32.f32 v28  }
0xba: {  	v45 =	vcvt.s32.f32 v22;
	v44 =	vcvt.s32.f32 v23;
	s30 =	sor.u32 s17, s14;
	v23 =	vld [tilespmem:s31+$0x10]  }
0xbb: {  	v38 =	vcvt.s32.f32 v30;
	v42 =	vcvt.s32.f32 v24;
	v22 =	vld [tilespmem:s30+$0x0];
	vm2 =	vnez.u8 v25  }
0xbc: {  	v37 =	vcvt.s32.f32 v29;
	v24 =	vld [tilespmem:s31+$0x20];
	v25 =	vimm.s32 $0x0;
	vm2 =	vmand vm2, vm11  }
0xbd: {  	v29 =	vand.u32 $0xFFFF, v21;
	v25 =	vsel vm2, $0xFFFFFFFF, v25;
	vm2 =	vnez.u8 v26  }
0xbe: {  	v30 =	vshrl.u32 v21, $0x10;
	v21 =	vld [tilespmem:$0x1FE00];
	v26 =	vimm.s32 $0x0;
	vm2 =	vmand vm2, vm14  }
0xbf: {  	vm0 =	vmand vm12, vm0;
	v31 =	vshrl.u32 v23, $0x10;
	[tilespmem:$0x1FEB0] =	vst v25;
	v25 =	vld [tilespmem:s31+$0x30];
	v26 =	vsel vm2, $0xFFFFFFFF, v26  }
0xc0: {  	v62 =	vcvt.s32.f32 v30;
	v18 =	vcvt.s32.f32 v33;
	[tilespmem:$0x1FEC0] =	vst v26;
	v26 =	vimm.s32 $0x0  }
0xc1: {  	v33 =	vand.u32 $0xFFFF, v22;
	v4 =	vmovc v40;
	v40 =	vand.u32 $0xFFFF, v24;
	v26 =	vsel vm0, $0xFFFFFFFF, v26  }
0xc2: {  	v17 =	vcvt.s32.f32 v34;
	vm0 =	vmand vm1, vm15;
	[tilespmem:$0x1FED0] =	vst v26;
	v26 =	vimm.s32 $0x0  }
0xc3: {  	vm1 =	vne.s32 v30, $0x0;
	v26 =	vsel vm0, $0xFFFFFFFF, v26;
	vm0 =	vnez.u8 v21  }
0xc4: {  	v5 =	vmovc v41;
	v21 =	vimm.s32 $0x0;
	v41 =	vand.u32 $0xFFFF, v25;
	vm0 =	vmand vm13, vm0  }
0xc5: {  	v28 =	vshrl.u32 v25, $0x10;
	v25 =	vld [tilespmem:s30+$0x400];
	v21 =	vsel vm0, $0xFFFFFFFF, v21;
	vm0 =	vne.s32 v29, $0x0  }
0xc6: {  	v34 =	vand.u32 $0xFFFF, v23;
	[tilespmem:$0x1FEF0] =	vst v21;
	vm0 =	vmand vm0, vm1;
	v21 =	vshrl.u32 v24, $0x10;
	v24 =	vld [tilespmem:s31+$0x70]  }
0xc7: {  	[tilespmem:$0x1FEE0] =	vst v26;
	v26 =	vshrl.u32 v22, $0x10;
	v22 =	vimm.s32 $0x0;
	vm1 =	vne.s32 v33, $0x0  }
0xc8: {  	v23 =	vimm.s32 $0x0;
	v22 =	vsel vm1, $0xFFFFFFFF, v22;
	vm1 =	vne.s32 v34, $0x0  }
0xc9: {  	v30 =	vimm.s32 $0x0;
	v23 =	vsel vm1, $0xFFFFFFFF, v23;
	vm1 =	vne.s32 v31, $0x0  }
0xca: {  	v3 =	vmov v48;
	v48 =	vld [tilespmem:$0x1FE10];
	v30 =	vsel vm1, $0xFFFFFFFF, v30  }
0xcb: {  	v55 =	vand.u32 $0xFFFF, v25;
	[tilespmem:$0x1FF30] =	vst v30;
	v54 =	vand.u32 $0xFFFF, v24;
	v30 =	vshrl.u32 v24, $0x10  }
0xcc: {  	v24 =	vshrl.u32 v25, $0x10;
	v25 =	vimm.s32 $0x0;
	[tilespmem:v29+s7+$0x0] =	vst.idx.add.f32.msk vm0, v62;
	vm0 =	vne.s32 v21, $0x0  }
0xcd: {  	v25 =	vsel vm0, $0xFFFFFFFF, v25  }
0xce: {  	vm0 =	vne.s32 v41, $0x0;
	[tilespmem:$0x1FF40] =	vst v25;
	v25 =	vimm.s32 $0x0  }
0xcf: {  	v25 =	vsel vm0, $0xFFFFFFFF, v25;
	vm0 =	vnez.u8 v48;
	_ =	sdelay $0x5  }
0xd0: {  	[tilespmem:v15+s7+$0x0] =	vst.idx.add.f32.msk vm0, v50  }
0xd1: {  	v50 =	vld [tilespmem:$0x1FE20]  }
0xd2: {  	v60 =	vld [tilespmem:s31+$0x410];
	_ =	sdelay $0x3  }
0xd3: {  	vm0 =	vnez.u8 v50  }
0xd4: {  	v57 =	vand.u32 $0xFFFF, v60;
	v29 =	vshrl.u32 v60, $0x10;
	v60 =	vld [tilespmem:$0x1FE30]  }
0xd5: {  	v61 =	vld [tilespmem:s31+$0x420];
	_ =	sdelay $0x3  }
0xd6: {  	[tilespmem:v10+s7+$0x0] =	vst.idx.add.f32.msk vm0, v46;
	vm0 =	vnez.u8 v60  }
0xd7: {  	v1 =	vmov v47;
	v47 =	vand.u32 $0xFFFF, v61;
	[tilespmem:$0x1FF50] =	vst v25;
	v25 =	vshrl.u32 v61, $0x10;
	v61 =	vld [tilespmem:$0x1FE40];
	_ =	sdelay $0x1  }
0xd8: {  	v63 =	vld [tilespmem:s31+$0x430];
	_ =	sdelay $0x1  }
0xd9: {  	v59 =	vld [tilespmem:s31+$0x60]  }
0xda: {  	[tilespmem:v11+s7+$0x0] =	vst.idx.add.f32.msk vm0, v49;
	vm0 =	vnez.u8 v61;
	_ =	sdelay $0x1  }
0xdb: {  	v2 =	vmovc v36;
	v36 =	vand.u32 $0xFFFF, v63;
	v19 =	vcvt.s32.f32 v32;
	v32 =	vshrl.u32 v63, $0x10;
	v63 =	vld [tilespmem:$0x1FE50];
	_ =	sdelay $0x2  }
0xdc: {  	v39 =	vcvt.s32.f32 v27;
	v27 =	vld [tilespmem:s31+$0x40];
	[tilespmem:$0x1FF20] =	vst v23;
	v23 =	vshrl.u32 v59, $0x10  }
0xdd: {  	v62 =	vimm.s32 $0x0;
	[tilespmem:v12+s7+$0x0] =	vst.idx.add.f32.msk vm0, v43;
	vm0 =	vne.s32 v23, $0x0  }
0xde: {  	v58 =	vld [tilespmem:s31+$0x50];
	[tilespmem:$0x1FE80] =	vst v16;
	v16 =	vcvt.s32.f32 v35;
	v35 =	vsel vm0, $0xFFFFFFFF, v62;
	vm0 =	vnez.u8 v63;
	_ =	sdelay $0x3  }
0xdf: {  	v50 =	vld [tilespmem:$0x1FE60]  }
0xe0: {  	v51 =	vand.u32 $0xFFFF, v27;
	v52 =	vand.u32 $0xFFFF, v58;
	[tilespmem:$0x1FF10] =	vst v22;
	v22 =	vshrl.u32 v27, $0x10  }
0xe1: {  	v27 =	vshrl.u32 v58, $0x10;
	[tilespmem:v7+s7+$0x0] =	vst.idx.add.f32.msk vm0, v45;
	vm0 =	vne.s32 v54, $0x0;
	v45 =	vimm.s32 $0x0  }
0xe2: {  	v46 =	vimm.s32 $0x0;
	v43 =	vsel vm0, $0xFFFFFFFF, v45;
	vm0 =	vne.s32 v30, $0x0  }
0xe3: {  	v58 =	vld [tilespmem:s31+$0x450];
	v49 =	vimm.s32 $0x0;
	[tilespmem:$0x1FF70] =	vst v43;
	v43 =	vsel vm0, $0xFFFFFFFF, v46;
	vm0 =	vne.s32 v55, $0x0  }
0xe4: {  	v56 =	vld [tilespmem:s31+$0x440];
	[tilespmem:$0x1FF80] =	vst v43;
	v43 =	vsel vm0, $0xFFFFFFFF, v49;
	vm0 =	vnez.u8 v50;
	_ =	sdelay $0x2  }
0xe5: {  	v53 =	vand.u32 $0xFFFF, v59  }
0xe6: {  	vm4 =	vne.s32 v40, $0x0;
	v10 =	vmovc v34;
	v34 =	vshrl.u32 v58, $0x10;
	v11 =	vmovc v40;
	v40 =	vand.u32 $0xFFFF, v58;
	v58 =	vld [tilespmem:$0x1FE70]  }
0xe7: {  	vm6 =	vne.s32 v51, $0x0;
	vm5 =	vne.s32 v52, $0x0;
	v48 =	vand.u32 $0xFFFF, v56  }
0xe8: {  	v15 =	vmovc v33;
	v33 =	vshrl.u32 v56, $0x10;
	v7 =	vmovc v51;
	v51 =	vimm.s32 $0x0;
	[tilespmem:v8+s7+$0x0] =	vst.idx.add.f32.msk vm0, v39;
	vm0 =	vne.s32 v24, $0x0  }
0xe9: {  	v8 =	vmovc v52;
	v52 =	vimm.s32 $0x0;
	v39 =	vsel vm0, $0xFFFFFFFF, v51;
	vm0 =	vne.s32 v57, $0x0  }
0xea: {  	v59 =	vld [tilespmem:s31+$0x460];
	v56 =	vimm.s32 $0x0;
	[tilespmem:$0x1FFA0] =	vst v39;
	v39 =	vsel vm0, $0xFFFFFFFF, v52;
	vm0 =	vne.s32 v29, $0x0  }
0xeb: {  	v62 =	vld [tilespmem:$0x1FE90];
	[tilespmem:$0x1FFB0] =	vst v39;
	v39 =	vsel vm0, $0xFFFFFFFF, v56;
	vm0 =	vnez.u8 v58  }
0xec: {  	v63 =	vld [tilespmem:$0x1FEA0];
	_ =	sdelay $0x1  }
0xed: {  	v61 =	vld [tilespmem:$0x1FE80];
	_ =	sdelay $0x1  }
0xee: {  	v12 =	vmovc v41;
	v41 =	vand.u32 $0xFFFF, v59;
	[tilespmem:$0x1FF60] =	vst v35;
	v35 =	vshrl.u32 v59, $0x10;
	vm1 =	vnez.u8 v62  }
0xef: {  	v59 =	vimm.s32 $0x0;
	vm2 =	vnez.u8 v63;
	[tilespmem:v13+s7+$0x0] =	vst.idx.add.f32.msk vm0, v44;
	vm0 =	vne.s32 v47, $0x0  }
0xf0: {  	v60 =	vimm.s32 $0x0;
	[tilespmem:$0x1FFC0] =	vst v39;
	v39 =	vsel vm0, $0xFFFFFFFF, v59;
	vm0 =	vne.s32 v36, $0x0  }
0xf1: {  	[tilespmem:$0x1FFD0] =	vst v39;
	v39 =	vsel vm0, $0xFFFFFFFF, v60;
	vm0 =	vnez.u8 v61  }
0xf2: {  	p0 =	slt.u32 s10, $0x7F00  }
.Ltmp1:
0xf3: {  	vm10 =	vne.s32 v53, $0x0;
	[tilespmem:$0x1FF90] =	vst v43;
	(pc) =	sbr.rel @p0 .LBB2_4-.Ltmp1, $4  }
0xf4: {  	vm14 =	vne.s32 v32, $0x0;
	vm7 =	vne.s32 v28, $0x0;
	vm3 =	vne.s32 v26, $0x0;
	[tilespmem:v6+s7+$0x0] =	vst.idx.add.f32.msk vm1, v42  }
0xf5: {  	vm8 =	vne.s32 v22, $0x0;
	vm9 =	vne.s32 v27, $0x0;
	vm12 =	vne.s32 v48, $0x0;
	[tilespmem:v9+s7+$0x0] =	vst.idx.add.f32.msk vm2, v37  }
0xf6: {  	vm11 =	vne.s32 v25, $0x0;
	vm15 =	vne.s32 v34, $0x0;
	vm13 =	vne.s32 v41, $0x0;
	v6 =	vmovc v55;
	[tilespmem:$0x1FFE0] =	vst v39  }
0xf7: {  	s13 =	sadd.s32 $0x2000, s13;
	vm1 =	vne.s32 v40, $0x0;
	v9 =	vmovc v57;
	v13 =	vmovc v53;
	[tilespmem:v14+s7+$0x0] =	vst.idx.add.f32.msk vm0, v38;
	v14 =	vmov v54;
	vm0 =	vne.s32 v33, $0x0  }
0xf8: {  	v37 =	vld [tilespmem:$0x1FF10];
	_ =	sdelay $0x1  }
0xf9: {  	v63 =	vld [tilespmem:$0x1FEB0];
	_ =	sdelay $0x2  }
0xfa: {  	vm2 =	vnez.u8 v37  }
0xfb: {  	v62 =	vimm.s32 $0x0;
	vm2 =	vmand vm2, vm3  }
0xfc: {  	v37 =	vsel vm2, $0xFFFFFFFF, v62;
	vm2 =	vnez.u8 v63;
	_ =	sdelay $0x4  }
0xfd: {  	[tilespmem:$0x1FDB0] =	vst v37  }
0xfe: {  	[tilespmem:v1+s7+$0x0] =	vst.idx.add.f32.msk vm2, v20  }
0xff: {  	v1 =	vld [tilespmem:$0x1FF20];
	_ =	sdelay $0x4  }
0x100: {  	vm2 =	vnez.u8 v1;
	v1 =	vld [tilespmem:$0x1FF30];
	_ =	sdelay $0x4  }
0x101: {  	vm3 =	vnez.u8 v1  }
0x102: {  	v1 =	vimm.s32 $0x0;
	vm2 =	vmand vm2, vm3  }
0x103: {  	v1 =	vsel vm2, $0xFFFFFFFF, v1  }
0x104: {  	[tilespmem:$0x1FDC0] =	vst v1;
	v1 =	vld [tilespmem:$0x1FEC0];
	_ =	sdelay $0x4  }
0x105: {  	vm2 =	vnez.u8 v1;
	_ =	sdelay $0x5  }
0x106: {  	[tilespmem:v2+s7+$0x0] =	vst.idx.add.f32.msk vm2, v19  }
0x107: {  	v1 =	vld [tilespmem:$0x1FF40];
	_ =	sdelay $0x4  }
0x108: {  	vm2 =	vnez.u8 v1  }
0x109: {  	v1 =	vimm.s32 $0x0;
	vm2 =	vmand vm4, vm2  }
0x10a: {  	v1 =	vsel vm2, $0xFFFFFFFF, v1  }
0x10b: {  	[tilespmem:$0x1FDD0] =	vst v1;
	v1 =	vld [tilespmem:$0x1FED0];
	_ =	sdelay $0x4  }
0x10c: {  	vm4 =	vnez.u8 v1;
	_ =	sdelay $0x5  }
0x10d: {  	[tilespmem:v3+s7+$0x0] =	vst.idx.add.f32.msk vm4, v18  }
0x10e: {  	v1 =	vld [tilespmem:$0x1FF50];
	_ =	sdelay $0x4  }
0x10f: {  	vm4 =	vnez.u8 v1  }
0x110: {  	v1 =	vimm.s32 $0x0;
	vm2 =	vmand vm4, vm7  }
0x111: {  	v1 =	vsel vm2, $0xFFFFFFFF, v1  }
0x112: {  	[tilespmem:$0x1FDE0] =	vst v1;
	v1 =	vld [tilespmem:$0x1FEE0];
	_ =	sdelay $0x4  }
0x113: {  	vm7 =	vnez.u8 v1;
	_ =	sdelay $0x5  }
0x114: {  	[tilespmem:v4+s7+$0x0] =	vst.idx.add.f32.msk vm7, v17  }
0x115: {  	v2 =	vld [tilespmem:$0x1FEF0];
	_ =	sdelay $0x4  }
0x116: {  	vm4 =	vnez.u8 v2;
	_ =	sdelay $0x5  }
0x117: {  	[tilespmem:v5+s7+$0x0] =	vst.idx.add.f32.msk vm4, v16  }
0x118: {  	v3 =	vld [tilespmem:$0x1FF60];
	_ =	sdelay $0x4  }
0x119: {  	vm7 =	vmand vm6, vm8;
	vm8 =	vmand vm5, vm9;
	vm5 =	vnez.u8 v3;
	v3 =	vld [tilespmem:$0x1FDB0];
	_ =	sdelay $0x4  }
0x11a: {  	vm6 =	vnez.u8 v3;
	_ =	sdelay $0x3  }
0x11b: {  	v1 =	vcvt.s32.f32 v26;
	_ =	sdelay $0x1  }
0x11c: {  	[tilespmem:v15+s7+$0x0] =	vst.idx.add.f32.msk vm6, v1  }
0x11d: {  	v3 =	vld [tilespmem:$0x1FF70];
	_ =	sdelay $0x4  }
0x11e: {  	vm9 =	vnez.u8 v3;
	v3 =	vld [tilespmem:$0x1FF80];
	_ =	sdelay $0x4  }
0x11f: {  	vm2 =	vmand vm10, vm5;
	vm10 =	vnez.u8 v3;
	v3 =	vld [tilespmem:$0x1FDC0];
	_ =	sdelay $0x4  }
0x120: {  	vm4 =	vmand vm9, vm10;
	vm9 =	vnez.u8 v3;
	_ =	sdelay $0x3  }
0x121: {  	v2 =	vcvt.s32.f32 v31;
	_ =	sdelay $0x1  }
0x122: {  	[tilespmem:v10+s7+$0x0] =	vst.idx.add.f32.msk vm9, v2  }
0x123: {  	v3 =	vld [tilespmem:$0x1FF90];
	_ =	sdelay $0x4  }
0x124: {  	vm10 =	vnez.u8 v3;
	v3 =	vld [tilespmem:$0x1FFA0];
	_ =	sdelay $0x4  }
0x125: {  	vm9 =	vnez.u8 v3;
	v3 =	vld [tilespmem:$0x1FDD0];
	_ =	sdelay $0x4  }
0x126: {  	vm3 =	vmand vm10, vm9;
	vm10 =	vnez.u8 v3;
	_ =	sdelay $0x3  }
0x127: {  	v1 =	vcvt.s32.f32 v21;
	_ =	sdelay $0x1  }
0x128: {  	[tilespmem:v11+s7+$0x0] =	vst.idx.add.f32.msk vm10, v1  }
0x129: {  	v3 =	vld [tilespmem:$0x1FFB0];
	_ =	sdelay $0x4  }
0x12a: {  	vm9 =	vnez.u8 v3;
	v3 =	vld [tilespmem:$0x1FFC0];
	_ =	sdelay $0x4  }
0x12b: {  	vm10 =	vnez.u8 v3;
	v3 =	vld [tilespmem:$0x1FDE0];
	_ =	sdelay $0x4  }
0x12c: {  	vm5 =	vmand vm9, vm10;
	vm9 =	vnez.u8 v3;
	_ =	sdelay $0x3  }
0x12d: {  	v2 =	vcvt.s32.f32 v28;
	_ =	sdelay $0x1  }
0x12e: {  	[tilespmem:v12+s7+$0x0] =	vst.idx.add.f32.msk vm9, v2  }
0x12f: {  	v3 =	vld [tilespmem:$0x1FFD0];
	_ =	sdelay $0x1  }
0x130: {  	v1 =	vcvt.s32.f32 v22;
	_ =	sdelay $0x1  }
0x131: {  	[tilespmem:v7+s7+$0x0] =	vst.idx.add.f32.msk vm7, v1  }
0x132: {  	vm10 =	vnez.u8 v3;
	v3 =	vld [tilespmem:$0x1FFE0];
	_ =	sdelay $0x2  }
0x133: {  	v1 =	vcvt.s32.f32 v23;
	vm6 =	vmand vm10, vm11  }
0x134: {  	vm0 =	vmand vm12, vm0;
	v2 =	vcvt.s32.f32 v27  }
0x135: {  	vm1 =	vmand vm1, vm15;
	[tilespmem:v13+s7+$0x0] =	vst.idx.add.f32.msk vm2, v1;
	v1 =	vcvt.s32.f32 v24;
	vm11 =	vnez.u8 v3  }
0x136: {  	vm15 =	vne.s32 v35, $0x0;
	[tilespmem:v8+s7+$0x0] =	vst.idx.add.f32.msk vm8, v2;
	v2 =	vcvt.s32.f32 v30;
	vm7 =	vmand vm11, vm14  }
0x137: {  	vm2 =	vmand vm13, vm15;
	[tilespmem:v6+s7+$0x0] =	vst.idx.add.f32.msk vm3, v1;
	v1 =	vcvt.s32.f32 v25  }
0x138: {  	[tilespmem:v14+s7+$0x0] =	vst.idx.add.f32.msk vm4, v2;
	v2 =	vcvt.s32.f32 v29  }
0x139: {  	[tilespmem:v47+s7+$0x0] =	vst.idx.add.f32.msk vm6, v1;
	v1 =	vcvt.s32.f32 v33  }
0x13a: {  	[tilespmem:v9+s7+$0x0] =	vst.idx.add.f32.msk vm5, v2;
	v2 =	vcvt.s32.f32 v32  }
0x13b: {  	[tilespmem:v48+s7+$0x0] =	vst.idx.add.f32.msk vm0, v1;
	v1 =	vcvt.s32.f32 v35  }
0x13c: {  	s9 =	sadd.s32 $0x1, s9;
	[tilespmem:v36+s7+$0x0] =	vst.idx.add.f32.msk vm7, v2;
	v2 =	vcvt.s32.f32 v34  }
0x13d: {  	p0 =	sne.s32 s9, s6;
	[tilespmem:v41+s7+$0x0] =	vst.idx.add.f32.msk vm2, v1  }
.Ltmp2:
0x13e: {  	[tilespmem:v40+s7+$0x0] =	vst.idx.add.f32.msk vm1, v2;
	(pc) =	sbr.rel @p0 .LBB2_1-.Ltmp2, $4  }
0x13f: {  	[hbm4b:s5+s2] =	stream.linear.scatter [tilespmem:s7], [sflag:$0x2], $0x5800, $0x38;
	[tilespmem:$0xD800] =	vst v63  }
0x140: {  	_ =	swait.ge [sflag:s8], $0x5800  }
0x141: {  	[sflag:s8] =	ssyncset.done $0x0  }
0x142: {  	[sflag:s8] =	ssyncadd.s32 $0xFFFFA800  }
0x143: {  	_ =	sfence.sel $0x180000  }
0x144: {  	[bflag:$0x0] =	sbarrier.arrive $0xFFFF  }
0x145: {  	p0 =	sne.s32 s0, $0x0;
	_ =	strace $0x90000047  }
0x146: {  	s0 =	sadd.s32 @!p0 $0x100000, s1;
	[bflag:$0x2] =	sbarrier.arrive $0xFFFF  }
0x147: {  	[sflag:s0] =	ssyncadd.tile.s32 @!p0 $0x1;
	_ =	shalt  }
.Lfunc_end2:
_tile_overlayer_lowered:
.L_overlay_start_2:
0x148: {  	(tag) =	ssettag $0x2  }
0x149: {  	s0 =	rddreg [dreg:$0x0];
	s2 =	stileid.u32  }
0x14a: {  	s1 =	rddreg [dreg:$0x1];
	p0 =	sne.s32 s2, $0x0  }
0x14b: {  	s3 =	rddreg [dreg:$0x2];
	[bflag:$0x3] =	sbarrier.arrive $0xFFFF;
	s2 =	simm.s32 @!p0 $0x1C02  }
0x14c: {  	[timem:s3], [sflag:s2] =	dma.local @!p0 [hbm:s0], s1  }
0x14d: {  	s0 =	simm.s32 @!p0 $0x2  }
0x14e: {  	_ =	swait.ge @!p0 [sflag:s0], s1  }
0x14f: {  	s1 =	ssub.s32 @!p0 $0x0, s1;
	[sflag:s0] =	ssyncset.done @!p0 $0x0  }
0x150: {  	[sflag:s0] =	ssyncadd.s32 @!p0 s1  }
0x151: {  	[bflag:$0x3] =	sbarrier.arrive $0xFFFF  }
0x152: {  	_ =	shalt  }

</sc_bundles>
